<compile_context>
chip_gen: v7x
topology: tpu7x:2x2x1
jax: 0.10.2.dev20260603
libtpu: 0.0.44.dev20260713+nightly
codegen_flags: <defaults>
</compile_context>

<pallas_src>
import functools

import jax
import jax.numpy as jnp
from jax import lax
from jax.experimental import pallas as pl
from jax.experimental.pallas import tpu as pltpu
import jax.experimental.pallas.tpu_sc as plsc

N_N = 10000
N_E = 320000
F_IN = 128
F_H = 64
F_OUT = 2

NC = 2
NS = 16
CH = 80
N_P = 10240
E_ROWS = N_E // CH
NCH = E_ROWS // (NC * NS)
RPW = N_P // NS
DW = 8
GC = 1
NG = NCH // GC

_SC_MESH = plsc.VectorSubcoreMesh(core_axis_name="c", subcore_axis_name="s")
_SC_PARAMS = pltpu.CompilerParams(use_tc_tiling_on_sc=False)


@functools.partial(
    pl.kernel,
    out_type=jax.ShapeDtypeStruct((NC, N_P, DW), jnp.float32),
    mesh=_SC_MESH,
    scratch_types=[
        pltpu.VMEM((NCH, CH), jnp.int32),
        pltpu.VMEM((CH, DW), jnp.float32),
        pltpu.VMEM_SHARED((N_P, DW), jnp.float32),
    ],
    compiler_params=_SC_PARAMS,
)
def _deg_sc(edge_hbm, zeros_hbm, ones_hbm, out_hbm, dst_v, ones_v, deg_sh):
    cid = lax.axis_index("c")
    sid = lax.axis_index("s")
    row0 = sid * RPW
    cbase = (cid * NS + sid) * NCH
    pltpu.sync_copy(zeros_hbm.at[pl.ds(row0, RPW)], deg_sh.at[pl.ds(row0, RPW)])
    pltpu.sync_copy(ones_hbm, ones_v)
    pltpu.sync_copy(edge_hbm.at[1, pl.ds(cbase, NCH)], dst_v)
    plsc.subcore_barrier()

    def body(i, carry):
        pltpu.sync_copy(ones_v, deg_sh.at[dst_v.at[i]], add=True)
        return carry

    lax.fori_loop(0, NCH, body, 0)
    plsc.subcore_barrier()
    pltpu.sync_copy(deg_sh.at[pl.ds(row0, RPW)], out_hbm.at[cid, pl.ds(row0, RPW)])


@functools.partial(
    pl.kernel,
    out_type=jax.ShapeDtypeStruct((NC, N_P, F_H), jnp.float32),
    mesh=_SC_MESH,
    scratch_types=[
        pltpu.VMEM((NCH, CH), jnp.int32),
        pltpu.VMEM((NCH, CH), jnp.int32),
        pltpu.VMEM((GC, CH, F_H), jnp.float32),
        pltpu.VMEM((GC, CH, F_H), jnp.float32),
        pltpu.VMEM_SHARED((N_P, F_H), jnp.float32),
        pltpu.VMEM_SHARED((N_P, F_H), jnp.float32),
        pltpu.SemaphoreType.DMA,
        pltpu.SemaphoreType.DMA,
        pltpu.SemaphoreType.DMA,
        pltpu.SemaphoreType.DMA,
    ],
    compiler_params=_SC_PARAMS,
)
def _prop_sc(g_hbm_in, edge_hbm, zeros_hbm, out_hbm,
             src_v, dst_v, rows0, rows1, g_hbm, agg_sh, sg0, sg1, ss0, ss1):
    cid = lax.axis_index("c")
    sid = lax.axis_index("s")
    row0 = sid * RPW
    cbase = (cid * NS + sid) * NCH
    pltpu.sync_copy(zeros_hbm.at[pl.ds(row0, RPW)], agg_sh.at[pl.ds(row0, RPW)])
    pltpu.sync_copy(g_hbm_in.at[pl.ds(row0, RPW)], g_hbm.at[pl.ds(row0, RPW)])
    pltpu.sync_copy(edge_hbm.at[0, pl.ds(cbase, NCH)], src_v)
    pltpu.sync_copy(edge_hbm.at[1, pl.ds(cbase, NCH)], dst_v)
    plsc.subcore_barrier()

    def gather_issue(g, rows, sg):
        def c_body(c, carry):
            pltpu.async_copy(g_hbm.at[src_v.at[g * GC + c]], rows.at[c], sg)
            return carry
        lax.fori_loop(0, GC, c_body, 0)

    def gather_wait(g, rows, sg):
        def c_body(c, carry):
            pltpu.make_async_copy(
                g_hbm.at[src_v.at[g * GC + c]], rows.at[c], sg).wait()
            return carry
        lax.fori_loop(0, GC, c_body, 0)

    def scatter_issue(g, rows, ss):
        def c_body(c, carry):
            pltpu.async_copy(
                rows.at[c], agg_sh.at[dst_v.at[g * GC + c]], ss, add=True)
            return carry
        lax.fori_loop(0, GC, c_body, 0)

    def scatter_wait(g, rows, ss):
        def c_body(c, carry):
            pltpu.make_async_copy(
                rows.at[c], agg_sh.at[dst_v.at[g * GC + c]], ss).wait()
            return carry
        lax.fori_loop(0, GC, c_body, 0)

    halves = ((rows0, sg0, ss0), (rows1, sg1, ss1))
    gather_issue(0, rows0, sg0)

    def pair(p, carry):
        for half in range(2):
            rows, sg, ss = halves[half]
            orows, osg, oss = halves[1 - half]
            g = 2 * p + half
            gather_wait(g, rows, sg)
            scatter_issue(g, rows, ss)

            @pl.when(g >= 1)
            def _():
                scatter_wait(g - 1, orows, oss)

            @pl.when(g + 1 < NG)
            def _():
                gather_issue(g + 1, orows, osg)
        return carry

    lax.fori_loop(0, NG // 2, pair, 0)
    gather_wait(NG - 1, rows0, sg0)
    scatter_issue(NG - 1, rows0, ss0)
    scatter_wait(NG - 2, rows1, ss1)
    scatter_wait(NG - 1, rows0, ss0)
    plsc.subcore_barrier()
    pltpu.sync_copy(agg_sh.at[pl.ds(row0, RPW)], out_hbm.at[cid, pl.ds(row0, RPW)])


BR = 2000


def _mlp_body(x_ref, w1_ref, b1_ref, w2_ref, b2_ref, o_ref):
    h1 = jnp.dot(x_ref[...], w1_ref[...], preferred_element_type=jnp.float32)
    h1 = jnp.maximum(h1 + b1_ref[...], 0.0)
    h2 = jnp.dot(h1, w2_ref[...], preferred_element_type=jnp.float32)
    o_ref[...] = jnp.maximum(h2 + b2_ref[...], 0.0)


def _scale_body(deg_ref, h_ref, g_ref, dis_ref):
    deg = jnp.maximum(deg_ref[0] + deg_ref[1], 1.0)
    dis = lax.rsqrt(deg)
    dis_ref[...] = dis
    g_ref[...] = h_ref[...] * dis[:, 0:1]


def _update_body(h_ref, dis_ref, agg_ref, g_ref):
    dis = dis_ref[:, 0:1]
    p = h_ref[...] - dis * (agg_ref[0] + agg_ref[1])
    g_ref[...] = p * dis


def _final_body(h_ref, dis_ref, agg1_ref, agg2_ref, w3_ref, b3_ref, w4_ref,
                b4_ref, y_ref):
    dis = dis_ref[:, 0:1]
    h = h_ref[...]
    q1 = dis * (agg1_ref[0] + agg1_ref[1])
    q2 = dis * (agg2_ref[0] + agg2_ref[1])
    c0 = 0.75 * h + 2.25 * q1 - 0.75 * q2
    c1 = 1.5 * h - 1.5 * q1 + 1.5 * q2
    c2 = 0.75 * h - 0.75 * q1 - 0.75 * q2
    acts = jnp.dot(c0, w3_ref[0:F_H, :], preferred_element_type=jnp.float32)
    acts += jnp.dot(c1, w3_ref[F_H:2 * F_H, :], preferred_element_type=jnp.float32)
    acts += jnp.dot(c2, w3_ref[2 * F_H:3 * F_H, :], preferred_element_type=jnp.float32)
    acts = jnp.maximum(acts + b3_ref[...], 0.0)
    y = jnp.dot(acts, w4_ref[...], preferred_element_type=jnp.float32)
    y_ref[...] = y + b4_ref[...]


def _row_spec(width):
    return pl.BlockSpec((BR, width), lambda i: (i, 0))


def _full_spec(shape):
    nd = len(shape)
    return pl.BlockSpec(shape, lambda i, _nd=nd: (0,) * _nd)


def _agg_spec(width):
    return pl.BlockSpec((NC, BR, width), lambda i: (0, i, 0))


def kernel(x, edge_index, W1, b1, W2, b2, W3, b3, W4, b4):
    edge3d = edge_index.astype(jnp.int32).reshape(2, E_ROWS, CH)
    zeros_h = jnp.zeros((N_P, F_H), jnp.float32)
    zeros_d = jnp.zeros((N_P, DW), jnp.float32)
    ones_d = jnp.ones((CH, DW), jnp.float32)
    b1r = b1.reshape(1, F_H)
    b2r = b2.reshape(1, F_H)
    b3r = b3.reshape(1, F_H)
    b4r = b4.reshape(1, F_OUT)

    grid = (N_N // BR,)

    deg2 = _deg_sc(edge3d, zeros_d, ones_d)

    h = pl.pallas_call(
        _mlp_body,
        grid=grid,
        in_specs=[_row_spec(F_IN), _full_spec((F_IN, F_H)), _full_spec((1, F_H)),
                  _full_spec((F_H, F_H)), _full_spec((1, F_H))],
        out_specs=_row_spec(F_H),
        out_shape=jax.ShapeDtypeStruct((N_N, F_H), jnp.float32),
    )(x, W1, b1r, W2, b2r)

    g1, dis = pl.pallas_call(
        _scale_body,
        grid=grid,
        in_specs=[_agg_spec(DW), _row_spec(F_H)],
        out_specs=[_row_spec(F_H), _row_spec(DW)],
        out_shape=[jax.ShapeDtypeStruct((N_P, F_H), jnp.float32),
                   jax.ShapeDtypeStruct((N_N, DW), jnp.float32)],
    )(deg2, h)

    agg1 = _prop_sc(g1, edge3d, zeros_h)

    g2 = pl.pallas_call(
        _update_body,
        grid=grid,
        in_specs=[_row_spec(F_H), _row_spec(DW), _agg_spec(F_H)],
        out_specs=_row_spec(F_H),
        out_shape=jax.ShapeDtypeStruct((N_P, F_H), jnp.float32),
    )(h, dis, agg1)

    agg2 = _prop_sc(g2, edge3d, zeros_h)

    y = pl.pallas_call(
        _final_body,
        grid=grid,
        in_specs=[_row_spec(F_H), _row_spec(DW), _agg_spec(F_H),
                  _agg_spec(F_H), _full_spec((3 * F_H, F_H)),
                  _full_spec((1, F_H)), _full_spec((F_H, F_OUT)),
                  _full_spec((1, F_OUT))],
        out_specs=_row_spec(F_OUT),
        out_shape=jax.ShapeDtypeStruct((N_N, F_OUT), jnp.float32),
    )(h, dis, agg1, agg2, W3, b3r, W4, b4r)

    return y

# --- scband reference (transcript-rebuilt; emitter-appended) ---
"""Pipeline reference for scband-bwgnn-39608188404452 (READ-ONLY COPY).

The authoritative reference and input builder live on the scoring server;
editing this copy changes nothing except your own understanding.
"""

import jax, jax.numpy as jnp
import numpy as np

# BWGNN with d=2: thetas from calculate_theta2(2) computed analytically
# (Bernstein/Beta polynomial coefficients, ascending powers of x)
THETAS = [[3.0, -3.0, 0.75], [0.0, 3.0, -1.5], [0.0, 0.0, 0.75]]

N_NODES = 10000
N_EDGES = 320000
IN_FEATS = 128
H_FEATS = 64
OUT_FEATS = 2


def setup_inputs(seed: int = 0) -> dict:
    key = jax.random.key(seed)
    ks = jax.random.split(key, 12)
    x = jax.random.normal(ks[0], (N_NODES, IN_FEATS), dtype=jnp.float32)
    edge_index = jax.random.randint(ks[1], (2, N_EDGES), 0, N_NODES, dtype=jnp.int64)
    W1 = jax.random.normal(ks[2], (IN_FEATS, H_FEATS), dtype=jnp.float32) * (1.0 / np.sqrt(IN_FEATS))
    b1 = jnp.zeros((H_FEATS,), dtype=jnp.float32)
    W2 = jax.random.normal(ks[3], (H_FEATS, H_FEATS), dtype=jnp.float32) * (1.0 / np.sqrt(H_FEATS))
    b2 = jnp.zeros((H_FEATS,), dtype=jnp.float32)
    W3 = jax.random.normal(ks[4], (H_FEATS * len(THETAS), H_FEATS), dtype=jnp.float32) * (1.0 / np.sqrt(H_FEATS * len(THETAS)))
    b3 = jnp.zeros((H_FEATS,), dtype=jnp.float32)
    W4 = jax.random.normal(ks[5], (H_FEATS, OUT_FEATS), dtype=jnp.float32) * (1.0 / np.sqrt(H_FEATS))
    b4 = jnp.zeros((OUT_FEATS,), dtype=jnp.float32)
    return {"x": x, "edge_index": edge_index, "W1": W1, "b1": b1, "W2": W2, "b2": b2, "W3": W3, "b3": b3, "W4": W4, "b4": b4}


def _poly_conv(h, src, dst, deg_inv_sqrt, theta, n):
    h_acc = theta[0] * h
    feat = h
    for k in range(1, len(theta)):
        src_norm = feat[src] * deg_inv_sqrt[src]
        agg = jnp.zeros((n, feat.shape[1]), dtype=feat.dtype).at[dst].add(src_norm)
        feat = feat - deg_inv_sqrt * agg
        h_acc = h_acc + theta[k] * feat
    return h_acc


def reference(x, edge_index, W1, b1, W2, b2, W3, b3, W4, b4):
    n = x.shape[0]
    src, dst = edge_index[0], edge_index[1]
    h = jax.nn.relu(x @ W1 + b1)
    h = jax.nn.relu(h @ W2 + b2)
    ones = jnp.ones((src.shape[0],), dtype=x.dtype)
    deg = jnp.zeros((n,), dtype=x.dtype).at[dst].add(ones)
    deg = jnp.clip(deg, 1.0, None)[:, None]
    deg_inv_sqrt = deg ** (-0.5)
    h_final = [_poly_conv(h, src, dst, deg_inv_sqrt, th, n) for th in THETAS]
    h_cat = jnp.concatenate(h_final, axis=-1)
    h = jax.nn.relu(h_cat @ W3 + b3)
    return h @ W4 + b4

if __name__ == "__main__":
    import jax
    _d = setup_inputs()
    print(jax.jit(kernel)(*tuple(_d.values())))

</pallas_src>

<mosaic_0001>
#map = affine_map<(d0, d1) -> (0, 0)>
#map1 = affine_map<(d0, d1) -> (0, 0, 0)>
module attributes {stable_mosaic.version = 14 : i64} {
  func.func @_prop_sc(%arg0: i32, %arg1: i32, %arg2: memref<10240x64xf32, #tpu.memory_space<hbm>>, %arg3: memref<2x4000x80xi32, #tpu.memory_space<hbm>>, %arg4: memref<10240x64xf32, #tpu.memory_space<hbm>>, %arg5: memref<2x10240x64xf32, #tpu.memory_space<hbm>>, %arg6: memref<125x80xi32, #tpu.memory_space<vmem>>, %arg7: memref<125x80xi32, #tpu.memory_space<vmem>>, %arg8: memref<1x80x64xf32, #tpu.memory_space<vmem>>, %arg9: memref<1x80x64xf32, #tpu.memory_space<vmem>>, %arg10: memref<10240x64xf32, #tpu.memory_space<vmem_shared>>, %arg11: memref<10240x64xf32, #tpu.memory_space<vmem_shared>>, %arg12: memref<!tpu.dma_semaphore, #tpu.memory_space<semaphore_mem>>, %arg13: memref<!tpu.dma_semaphore, #tpu.memory_space<semaphore_mem>>, %arg14: memref<!tpu.dma_semaphore, #tpu.memory_space<semaphore_mem>>, %arg15: memref<!tpu.dma_semaphore, #tpu.memory_space<semaphore_mem>>) attributes {dimension_semantics = [#tpu.dimension_semantics<core_parallel>, #tpu.dimension_semantics<subcore_parallel>], iteration_bounds = array<i64: 2, 16>, scalar_prefetch = 0 : i64, scratch_operands = 10 : i64, tpu.core_type = #tpu.core_type<sc_vector_subcore>, window_params = [{transform_indices = #map}, {transform_indices = #map1}, {transform_indices = #map}, {transform_indices = #map1}]} {
    %mul3A = arith.constant 640 : i32
    %mul3A_0 = arith.muli %arg1, %mul3A : i32
    %mul3A_1 = arith.constant 16 : i32
    %mul3A_2 = arith.muli %arg0, %mul3A_1 : i32
    %add3A = arith.addi %mul3A_2, %arg1 : i32
    %mul3A_3 = arith.constant 125 : i32
    %mul3A_4 = arith.muli %add3A, %mul3A_3 : i32
    "tpu.region"() ({
      %run_scoped3A_85 = tpu.sem_alloc : memref<!tpu.dma_semaphore, #tpu.memory_space<semaphore_mem>>
      %dma_start3A_86 = arith.constant 0 : i32
      %dma_start3A_87 = tpu.memref_slice %arg11[%mul3A_0, %dma_start3A_86] : memref<10240x64xf32, #tpu.memory_space<vmem_shared>> -> memref<640x64xf32, #tpu.memory_space<vmem_shared>>
      %dma_start3A_88 = arith.constant 0 : i32
      %dma_start3A_89 = tpu.memref_slice %arg4[%mul3A_0, %dma_start3A_88] : memref<10240x64xf32, #tpu.memory_space<hbm>> -> memref<640x64xf32, #tpu.memory_space<hbm>>
      tpu.enqueue_dma source(%dma_start3A_89 : memref<640x64xf32, #tpu.memory_space<hbm>>) target(%dma_start3A_87 : memref<640x64xf32, #tpu.memory_space<vmem_shared>>) target_semaphore(%run_scoped3A_85 : memref<!tpu.dma_semaphore, #tpu.memory_space<semaphore_mem>>)
      %dma_wait3A_90 = arith.constant 0 : i32
      %dma_wait3A_91 = tpu.memref_slice %arg11[%mul3A_0, %dma_wait3A_90] : memref<10240x64xf32, #tpu.memory_space<vmem_shared>> -> memref<640x64xf32, #tpu.memory_space<vmem_shared>>
      %dma_wait3A_92 = arith.constant 0 : i32
      %dma_wait3A_93 = tpu.memref_slice %arg4[%mul3A_0, %dma_wait3A_92] : memref<10240x64xf32, #tpu.memory_space<hbm>> -> memref<640x64xf32, #tpu.memory_space<hbm>>
      tpu.wait_dma2 semaphore(%run_scoped3A_85 : memref<!tpu.dma_semaphore, #tpu.memory_space<semaphore_mem>>) src(%dma_wait3A_93 : memref<640x64xf32, #tpu.memory_space<hbm>>) dst(%dma_wait3A_91 : memref<640x64xf32, #tpu.memory_space<vmem_shared>>)
      tpu.yield
    }) : () -> ()
    "tpu.region"() ({
      %run_scoped3A_85 = tpu.sem_alloc : memref<!tpu.dma_semaphore, #tpu.memory_space<semaphore_mem>>
      %dma_start3A_86 = arith.constant 0 : i32
      %dma_start3A_87 = tpu.memref_slice %arg10[%mul3A_0, %dma_start3A_86] : memref<10240x64xf32, #tpu.memory_space<vmem_shared>> -> memref<640x64xf32, #tpu.memory_space<vmem_shared>>
      %dma_start3A_88 = arith.constant 0 : i32
      %dma_start3A_89 = tpu.memref_slice %arg2[%mul3A_0, %dma_start3A_88] : memref<10240x64xf32, #tpu.memory_space<hbm>> -> memref<640x64xf32, #tpu.memory_space<hbm>>
      tpu.enqueue_dma source(%dma_start3A_89 : memref<640x64xf32, #tpu.memory_space<hbm>>) target(%dma_start3A_87 : memref<640x64xf32, #tpu.memory_space<vmem_shared>>) target_semaphore(%run_scoped3A_85 : memref<!tpu.dma_semaphore, #tpu.memory_space<semaphore_mem>>)
      %dma_wait3A_90 = arith.constant 0 : i32
      %dma_wait3A_91 = tpu.memref_slice %arg10[%mul3A_0, %dma_wait3A_90] : memref<10240x64xf32, #tpu.memory_space<vmem_shared>> -> memref<640x64xf32, #tpu.memory_space<vmem_shared>>
      %dma_wait3A_92 = arith.constant 0 : i32
      %dma_wait3A_93 = tpu.memref_slice %arg2[%mul3A_0, %dma_wait3A_92] : memref<10240x64xf32, #tpu.memory_space<hbm>> -> memref<640x64xf32, #tpu.memory_space<hbm>>
      tpu.wait_dma2 semaphore(%run_scoped3A_85 : memref<!tpu.dma_semaphore, #tpu.memory_space<semaphore_mem>>) src(%dma_wait3A_93 : memref<640x64xf32, #tpu.memory_space<hbm>>) dst(%dma_wait3A_91 : memref<640x64xf32, #tpu.memory_space<vmem_shared>>)
      tpu.yield
    }) : () -> ()
    %run_scoped3A = arith.constant 0 : i32
    "tpu.region"() ({
      %run_scoped3A_85 = tpu.sem_alloc : memref<!tpu.dma_semaphore, #tpu.memory_space<semaphore_mem>>
      %dma_start3A_86 = arith.constant 0 : i32
      %dma_start3A_87 = tpu.memref_slice %arg3[%run_scoped3A, %mul3A_4, %dma_start3A_86] : memref<2x4000x80xi32, #tpu.memory_space<hbm>> -> memref<1x125x80xi32, #tpu.memory_space<hbm>>
      %dma_start3A_88 = tpu.memref_squeeze %dma_start3A_87 : memref<1x125x80xi32, #tpu.memory_space<hbm>> -> memref<125x80xi32, #tpu.memory_space<hbm>>
      %dma_start3A_89 = arith.constant 0 : i32
      %dma_start3A_90 = tpu.memref_slice %arg3[%run_scoped3A, %mul3A_4, %dma_start3A_89] : memref<2x4000x80xi32, #tpu.memory_space<hbm>> -> memref<1x125x80xi32, #tpu.memory_space<hbm>>
      %dma_start3A_91 = tpu.memref_squeeze %dma_start3A_90 : memref<1x125x80xi32, #tpu.memory_space<hbm>> -> memref<125x80xi32, #tpu.memory_space<hbm>>
      tpu.enqueue_dma source(%dma_start3A_91 : memref<125x80xi32, #tpu.memory_space<hbm>>) target(%arg6 : memref<125x80xi32, #tpu.memory_space<vmem>>) target_semaphore(%run_scoped3A_85 : memref<!tpu.dma_semaphore, #tpu.memory_space<semaphore_mem>>)
      %dma_wait3A_92 = arith.constant 0 : i32
      %dma_wait3A_93 = tpu.memref_slice %arg3[%run_scoped3A, %mul3A_4, %dma_wait3A_92] : memref<2x4000x80xi32, #tpu.memory_space<hbm>> -> memref<1x125x80xi32, #tpu.memory_space<hbm>>
      %dma_wait3A_94 = tpu.memref_squeeze %dma_wait3A_93 : memref<1x125x80xi32, #tpu.memory_space<hbm>> -> memref<125x80xi32, #tpu.memory_space<hbm>>
      %dma_wait3A_95 = arith.constant 0 : i32
      %dma_wait3A_96 = tpu.memref_slice %arg3[%run_scoped3A, %mul3A_4, %dma_wait3A_95] : memref<2x4000x80xi32, #tpu.memory_space<hbm>> -> memref<1x125x80xi32, #tpu.memory_space<hbm>>
      %dma_wait3A_97 = tpu.memref_squeeze %dma_wait3A_96 : memref<1x125x80xi32, #tpu.memory_space<hbm>> -> memref<125x80xi32, #tpu.memory_space<hbm>>
      tpu.wait_dma2 semaphore(%run_scoped3A_85 : memref<!tpu.dma_semaphore, #tpu.memory_space<semaphore_mem>>) src(%dma_wait3A_97 : memref<125x80xi32, #tpu.memory_space<hbm>>) dst(%arg6 : memref<125x80xi32, #tpu.memory_space<vmem>>)
      tpu.yield
    }) : () -> ()
    %run_scoped3A_5 = arith.constant 1 : i32
    "tpu.region"() ({
      %run_scoped3A_85 = tpu.sem_alloc : memref<!tpu.dma_semaphore, #tpu.memory_space<semaphore_mem>>
      %dma_start3A_86 = arith.constant 0 : i32
      %dma_start3A_87 = tpu.memref_slice %arg3[%run_scoped3A_5, %mul3A_4, %dma_start3A_86] : memref<2x4000x80xi32, #tpu.memory_space<hbm>> -> memref<1x125x80xi32, #tpu.memory_space<hbm>>
      %dma_start3A_88 = tpu.memref_squeeze %dma_start3A_87 : memref<1x125x80xi32, #tpu.memory_space<hbm>> -> memref<125x80xi32, #tpu.memory_space<hbm>>
      %dma_start3A_89 = arith.constant 0 : i32
      %dma_start3A_90 = tpu.memref_slice %arg3[%run_scoped3A_5, %mul3A_4, %dma_start3A_89] : memref<2x4000x80xi32, #tpu.memory_space<hbm>> -> memref<1x125x80xi32, #tpu.memory_space<hbm>>
      %dma_start3A_91 = tpu.memref_squeeze %dma_start3A_90 : memref<1x125x80xi32, #tpu.memory_space<hbm>> -> memref<125x80xi32, #tpu.memory_space<hbm>>
      tpu.enqueue_dma source(%dma_start3A_91 : memref<125x80xi32, #tpu.memory_space<hbm>>) target(%arg7 : memref<125x80xi32, #tpu.memory_space<vmem>>) target_semaphore(%run_scoped3A_85 : memref<!tpu.dma_semaphore, #tpu.memory_space<semaphore_mem>>)
      %dma_wait3A_92 = arith.constant 0 : i32
      %dma_wait3A_93 = tpu.memref_slice %arg3[%run_scoped3A_5, %mul3A_4, %dma_wait3A_92] : memref<2x4000x80xi32, #tpu.memory_space<hbm>> -> memref<1x125x80xi32, #tpu.memory_space<hbm>>
      %dma_wait3A_94 = tpu.memref_squeeze %dma_wait3A_93 : memref<1x125x80xi32, #tpu.memory_space<hbm>> -> memref<125x80xi32, #tpu.memory_space<hbm>>
      %dma_wait3A_95 = arith.constant 0 : i32
      %dma_wait3A_96 = tpu.memref_slice %arg3[%run_scoped3A_5, %mul3A_4, %dma_wait3A_95] : memref<2x4000x80xi32, #tpu.memory_space<hbm>> -> memref<1x125x80xi32, #tpu.memory_space<hbm>>
      %dma_wait3A_97 = tpu.memref_squeeze %dma_wait3A_96 : memref<1x125x80xi32, #tpu.memory_space<hbm>> -> memref<125x80xi32, #tpu.memory_space<hbm>>
      tpu.wait_dma2 semaphore(%run_scoped3A_85 : memref<!tpu.dma_semaphore, #tpu.memory_space<semaphore_mem>>) src(%dma_wait3A_97 : memref<125x80xi32, #tpu.memory_space<hbm>>) dst(%arg7 : memref<125x80xi32, #tpu.memory_space<vmem>>)
      tpu.yield
    }) : () -> ()
    %barrier3A = arith.constant 0 : index
    tpu.barrier barrier_id(%barrier3A)
    %scan3A = arith.constant 0 : i32
    %scan3A_6 = arith.constant 0 : i32
    %add3A_7 = arith.constant 0 : i32
    %add3A_8 = arith.addi %add3A_7, %scan3A_6 : i32
    %dma_start3A = arith.constant 0 : i32
    %dma_start3A_9 = arith.constant 0 : i32
    %dma_start3A_10 = tpu.memref_slice %arg8[%scan3A_6, %dma_start3A, %dma_start3A_9] : memref<1x80x64xf32, #tpu.memory_space<vmem>> -> memref<1x80x64xf32, #tpu.memory_space<vmem>>
    %dma_start3A_11 = tpu.memref_squeeze %dma_start3A_10 : memref<1x80x64xf32, #tpu.memory_space<vmem>> -> memref<80x64xf32, #tpu.memory_space<vmem>>
    %dma_start3A_12 = arith.constant 0 : i32
    %dma_start3A_13 = tpu.memref_slice %arg6[%add3A_8, %dma_start3A_12] : memref<125x80xi32, #tpu.memory_space<vmem>> -> memref<1x80xi32, #tpu.memory_space<vmem>>
    %dma_start3A_14 = tpu.memref_squeeze %dma_start3A_13 : memref<1x80xi32, #tpu.memory_space<vmem>> -> memref<80xi32, #tpu.memory_space<vmem>>
    %dma_start3A_15 = arith.constant 0 : i32
    %dma_start3A_16 = arith.constant 0 : i32
    %dma_start3A_17 = tpu.memref_slice %arg10[%dma_start3A_15, %dma_start3A_16] : memref<10240x64xf32, #tpu.memory_space<vmem_shared>> -> memref<10240x64xf32, #tpu.memory_space<vmem_shared>>
    tpu.enqueue_indirect_dma source(%dma_start3A_17 : memref<10240x64xf32, #tpu.memory_space<vmem_shared>>) target(%dma_start3A_11 : memref<80x64xf32, #tpu.memory_space<vmem>>) offsets(%dma_start3A_14 : memref<80xi32, #tpu.memory_space<vmem>>) semaphore(%arg12 : memref<!tpu.dma_semaphore, #tpu.memory_space<semaphore_mem>>)
    %scan3A_18 = arith.constant 1 : i32
    %scan3A_19 = arith.constant 0 : i32
    %scan3A_20 = arith.constant 0 : i32
    %scan3A_21 = arith.constant 62 : i32
    %scan3A_22 = arith.addi %scan3A_20, %scan3A_21 : i32
    %scan3A_23 = arith.constant 1 : i32
    scf.for %scan3A_85 = %scan3A_20 to %scan3A_22 step %scan3A_23  : i32 {
      %mul3A_86 = arith.constant 2 : i32
      %mul3A_87 = arith.muli %mul3A_86, %scan3A_85 : i32
      %add3A_88 = arith.constant 0 : i32
      %add3A_89 = arith.addi %mul3A_87, %add3A_88 : i32
      %scan3A_90 = arith.constant 0 : i32
      %scan3A_91 = arith.constant 0 : i32
      %mul3A_92 = arith.constant 1 : i32
      %mul3A_93 = arith.muli %add3A_89, %mul3A_92 : i32
      %add3A_94 = arith.addi %mul3A_93, %scan3A_91 : i32
      %dma_wait3A_95 = arith.constant 0 : i32
      %dma_wait3A_96 = arith.constant 0 : i32
      %dma_wait3A_97 = tpu.memref_slice %arg8[%scan3A_91, %dma_wait3A_95, %dma_wait3A_96] : memref<1x80x64xf32, #tpu.memory_space<vmem>> -> memref<1x80x64xf32, #tpu.memory_space<vmem>>
      %dma_wait3A_98 = tpu.memref_squeeze %dma_wait3A_97 : memref<1x80x64xf32, #tpu.memory_space<vmem>> -> memref<80x64xf32, #tpu.memory_space<vmem>>
      %dma_wait3A_99 = arith.constant 0 : i32
      %dma_wait3A_100 = tpu.memref_slice %arg6[%add3A_94, %dma_wait3A_99] : memref<125x80xi32, #tpu.memory_space<vmem>> -> memref<1x80xi32, #tpu.memory_space<vmem>>
      %dma_wait3A_101 = tpu.memref_squeeze %dma_wait3A_100 : memref<1x80xi32, #tpu.memory_space<vmem>> -> memref<80xi32, #tpu.memory_space<vmem>>
      %dma_wait3A_102 = arith.constant 0 : i32
      %dma_wait3A_103 = arith.constant 0 : i32
      %dma_wait3A_104 = tpu.memref_slice %arg10[%dma_wait3A_102, %dma_wait3A_103] : memref<10240x64xf32, #tpu.memory_space<vmem_shared>> -> memref<10240x64xf32, #tpu.memory_space<vmem_shared>>
      tpu.wait_indirect_dma semaphore(%arg12 : memref<!tpu.dma_semaphore, #tpu.memory_space<semaphore_mem>>) src(%dma_wait3A_104 : memref<10240x64xf32, #tpu.memory_space<vmem_shared>>) dst(%dma_wait3A_98 : memref<80x64xf32, #tpu.memory_space<vmem>>)
      %scan3A_105 = arith.constant 1 : i32
      %scan3A_106 = arith.constant 0 : i32
      %scan3A_107 = arith.constant 0 : i32
      %mul3A_108 = arith.constant 1 : i32
      %mul3A_109 = arith.muli %add3A_89, %mul3A_108 : i32
      %add3A_110 = arith.addi %mul3A_109, %scan3A_107 : i32
      %dma_start3A_111 = arith.constant 0 : i32
      %dma_start3A_112 = arith.constant 0 : i32
      %dma_start3A_113 = tpu.memref_slice %arg8[%scan3A_107, %dma_start3A_111, %dma_start3A_112] : memref<1x80x64xf32, #tpu.memory_space<vmem>> -> memref<1x80x64xf32, #tpu.memory_space<vmem>>
      %dma_start3A_114 = tpu.memref_squeeze %dma_start3A_113 : memref<1x80x64xf32, #tpu.memory_space<vmem>> -> memref<80x64xf32, #tpu.memory_space<vmem>>
      %dma_start3A_115 = arith.constant 0 : i32
      %dma_start3A_116 = tpu.memref_slice %arg7[%add3A_110, %dma_start3A_115] : memref<125x80xi32, #tpu.memory_space<vmem>> -> memref<1x80xi32, #tpu.memory_space<vmem>>
      %dma_start3A_117 = tpu.memref_squeeze %dma_start3A_116 : memref<1x80xi32, #tpu.memory_space<vmem>> -> memref<80xi32, #tpu.memory_space<vmem>>
      %dma_start3A_118 = arith.constant 0 : i32
      %dma_start3A_119 = arith.constant 0 : i32
      %dma_start3A_120 = tpu.memref_slice %arg11[%dma_start3A_118, %dma_start3A_119] : memref<10240x64xf32, #tpu.memory_space<vmem_shared>> -> memref<10240x64xf32, #tpu.memory_space<vmem_shared>>
      tpu.enqueue_indirect_dma source(%dma_start3A_114 : memref<80x64xf32, #tpu.memory_space<vmem>>) target(%dma_start3A_120 : memref<10240x64xf32, #tpu.memory_space<vmem_shared>>) offsets(%dma_start3A_117 : memref<80xi32, #tpu.memory_space<vmem>>) semaphore(%arg14 : memref<!tpu.dma_semaphore, #tpu.memory_space<semaphore_mem>>) {add = true}
      %scan3A_121 = arith.constant 1 : i32
      %ge3A = arith.constant 1 : i32
      %ge3A_122 = arith.cmpi sge, %add3A_89, %ge3A : i32
      %convert_element_type3A = arith.extui %ge3A_122 : i1 to i32
      %cond3A = arith.constant 0 : i32
      %cond3A_123 = arith.cmpi ne, %convert_element_type3A, %cond3A : i32
      scf.if %cond3A_123 {
        %sub3A = arith.constant 1 : i32
        %sub3A_178 = arith.subi %add3A_89, %sub3A : i32
        %scan3A_179 = arith.constant 0 : i32
        %scan3A_180 = arith.constant 0 : i32
        %mul3A_181 = arith.constant 1 : i32
        %mul3A_182 = arith.muli %sub3A_178, %mul3A_181 : i32
        %add3A_183 = arith.addi %mul3A_182, %scan3A_180 : i32
        %dma_wait3A_184 = arith.constant 0 : i32
        %dma_wait3A_185 = arith.constant 0 : i32
        %dma_wait3A_186 = tpu.memref_slice %arg9[%scan3A_180, %dma_wait3A_184, %dma_wait3A_185] : memref<1x80x64xf32, #tpu.memory_space<vmem>> -> memref<1x80x64xf32, #tpu.memory_space<vmem>>
        %dma_wait3A_187 = tpu.memref_squeeze %dma_wait3A_186 : memref<1x80x64xf32, #tpu.memory_space<vmem>> -> memref<80x64xf32, #tpu.memory_space<vmem>>
        %dma_wait3A_188 = arith.constant 0 : i32
        %dma_wait3A_189 = tpu.memref_slice %arg7[%add3A_183, %dma_wait3A_188] : memref<125x80xi32, #tpu.memory_space<vmem>> -> memref<1x80xi32, #tpu.memory_space<vmem>>
        %dma_wait3A_190 = tpu.memref_squeeze %dma_wait3A_189 : memref<1x80xi32, #tpu.memory_space<vmem>> -> memref<80xi32, #tpu.memory_space<vmem>>
        %dma_wait3A_191 = arith.constant 0 : i32
        %dma_wait3A_192 = arith.constant 0 : i32
        %dma_wait3A_193 = tpu.memref_slice %arg11[%dma_wait3A_191, %dma_wait3A_192] : memref<10240x64xf32, #tpu.memory_space<vmem_shared>> -> memref<10240x64xf32, #tpu.memory_space<vmem_shared>>
        tpu.wait_indirect_dma semaphore(%arg15 : memref<!tpu.dma_semaphore, #tpu.memory_space<semaphore_mem>>) src(%dma_wait3A_187 : memref<80x64xf32, #tpu.memory_space<vmem>>) dst(%dma_wait3A_193 : memref<10240x64xf32, #tpu.memory_space<vmem_shared>>)
        %scan3A_194 = arith.constant 1 : i32
      } else {
      }
      %add3A_124 = arith.constant 1 : i32
      %add3A_125 = arith.addi %add3A_89, %add3A_124 : i32
      %lt3A = arith.constant 125 : i32
      %lt3A_126 = arith.cmpi slt, %add3A_125, %lt3A : i32
      %convert_element_type3A_127 = arith.extui %lt3A_126 : i1 to i32
      %cond3A_128 = arith.constant 0 : i32
      %cond3A_129 = arith.cmpi ne, %convert_element_type3A_127, %cond3A_128 : i32
      scf.if %cond3A_129 {
        %add3A_178 = arith.constant 1 : i32
        %add3A_179 = arith.addi %add3A_89, %add3A_178 : i32
        %scan3A_180 = arith.constant 0 : i32
        %scan3A_181 = arith.constant 0 : i32
        %mul3A_182 = arith.constant 1 : i32
        %mul3A_183 = arith.muli %add3A_179, %mul3A_182 : i32
        %add3A_184 = arith.addi %mul3A_183, %scan3A_181 : i32
        %dma_start3A_185 = arith.constant 0 : i32
        %dma_start3A_186 = arith.constant 0 : i32
        %dma_start3A_187 = tpu.memref_slice %arg9[%scan3A_181, %dma_start3A_185, %dma_start3A_186] : memref<1x80x64xf32, #tpu.memory_space<vmem>> -> memref<1x80x64xf32, #tpu.memory_space<vmem>>
        %dma_start3A_188 = tpu.memref_squeeze %dma_start3A_187 : memref<1x80x64xf32, #tpu.memory_space<vmem>> -> memref<80x64xf32, #tpu.memory_space<vmem>>
        %dma_start3A_189 = arith.constant 0 : i32
        %dma_start3A_190 = tpu.memref_slice %arg6[%add3A_184, %dma_start3A_189] : memref<125x80xi32, #tpu.memory_space<vmem>> -> memref<1x80xi32, #tpu.memory_space<vmem>>
        %dma_start3A_191 = tpu.memref_squeeze %dma_start3A_190 : memref<1x80xi32, #tpu.memory_space<vmem>> -> memref<80xi32, #tpu.memory_space<vmem>>
        %dma_start3A_192 = arith.constant 0 : i32
        %dma_start3A_193 = arith.constant 0 : i32
        %dma_start3A_194 = tpu.memref_slice %arg10[%dma_start3A_192, %dma_start3A_193] : memref<10240x64xf32, #tpu.memory_space<vmem_shared>> -> memref<10240x64xf32, #tpu.memory_space<vmem_shared>>
        tpu.enqueue_indirect_dma source(%dma_start3A_194 : memref<10240x64xf32, #tpu.memory_space<vmem_shared>>) target(%dma_start3A_188 : memref<80x64xf32, #tpu.memory_space<vmem>>) offsets(%dma_start3A_191 : memref<80xi32, #tpu.memory_space<vmem>>) semaphore(%arg13 : memref<!tpu.dma_semaphore, #tpu.memory_space<semaphore_mem>>)
        %scan3A_195 = arith.constant 1 : i32
      } else {
      }
      %mul3A_130 = arith.constant 2 : i32
      %mul3A_131 = arith.muli %mul3A_130, %scan3A_85 : i32
      %add3A_132 = arith.constant 1 : i32
      %add3A_133 = arith.addi %mul3A_131, %add3A_132 : i32
      %scan3A_134 = arith.constant 0 : i32
      %scan3A_135 = arith.constant 0 : i32
      %mul3A_136 = arith.constant 1 : i32
      %mul3A_137 = arith.muli %add3A_133, %mul3A_136 : i32
      %add3A_138 = arith.addi %mul3A_137, %scan3A_135 : i32
      %dma_wait3A_139 = arith.constant 0 : i32
      %dma_wait3A_140 = arith.constant 0 : i32
      %dma_wait3A_141 = tpu.memref_slice %arg9[%scan3A_135, %dma_wait3A_139, %dma_wait3A_140] : memref<1x80x64xf32, #tpu.memory_space<vmem>> -> memref<1x80x64xf32, #tpu.memory_space<vmem>>
      %dma_wait3A_142 = tpu.memref_squeeze %dma_wait3A_141 : memref<1x80x64xf32, #tpu.memory_space<vmem>> -> memref<80x64xf32, #tpu.memory_space<vmem>>
      %dma_wait3A_143 = arith.constant 0 : i32
      %dma_wait3A_144 = tpu.memref_slice %arg6[%add3A_138, %dma_wait3A_143] : memref<125x80xi32, #tpu.memory_space<vmem>> -> memref<1x80xi32, #tpu.memory_space<vmem>>
      %dma_wait3A_145 = tpu.memref_squeeze %dma_wait3A_144 : memref<1x80xi32, #tpu.memory_space<vmem>> -> memref<80xi32, #tpu.memory_space<vmem>>
      %dma_wait3A_146 = arith.constant 0 : i32
      %dma_wait3A_147 = arith.constant 0 : i32
      %dma_wait3A_148 = tpu.memref_slice %arg10[%dma_wait3A_146, %dma_wait3A_147] : memref<10240x64xf32, #tpu.memory_space<vmem_shared>> -> memref<10240x64xf32, #tpu.memory_space<vmem_shared>>
      tpu.wait_indirect_dma semaphore(%arg13 : memref<!tpu.dma_semaphore, #tpu.memory_space<semaphore_mem>>) src(%dma_wait3A_148 : memref<10240x64xf32, #tpu.memory_space<vmem_shared>>) dst(%dma_wait3A_142 : memref<80x64xf32, #tpu.memory_space<vmem>>)
      %scan3A_149 = arith.constant 1 : i32
      %scan3A_150 = arith.constant 0 : i32
      %scan3A_151 = arith.constant 0 : i32
      %mul3A_152 = arith.constant 1 : i32
      %mul3A_153 = arith.muli %add3A_133, %mul3A_152 : i32
      %add3A_154 = arith.addi %mul3A_153, %scan3A_151 : i32
      %dma_start3A_155 = arith.constant 0 : i32
      %dma_start3A_156 = arith.constant 0 : i32
      %dma_start3A_157 = tpu.memref_slice %arg9[%scan3A_151, %dma_start3A_155, %dma_start3A_156] : memref<1x80x64xf32, #tpu.memory_space<vmem>> -> memref<1x80x64xf32, #tpu.memory_space<vmem>>
      %dma_start3A_158 = tpu.memref_squeeze %dma_start3A_157 : memref<1x80x64xf32, #tpu.memory_space<vmem>> -> memref<80x64xf32, #tpu.memory_space<vmem>>
      %dma_start3A_159 = arith.constant 0 : i32
      %dma_start3A_160 = tpu.memref_slice %arg7[%add3A_154, %dma_start3A_159] : memref<125x80xi32, #tpu.memory_space<vmem>> -> memref<1x80xi32, #tpu.memory_space<vmem>>
      %dma_start3A_161 = tpu.memref_squeeze %dma_start3A_160 : memref<1x80xi32, #tpu.memory_space<vmem>> -> memref<80xi32, #tpu.memory_space<vmem>>
      %dma_start3A_162 = arith.constant 0 : i32
      %dma_start3A_163 = arith.constant 0 : i32
      %dma_start3A_164 = tpu.memref_slice %arg11[%dma_start3A_162, %dma_start3A_163] : memref<10240x64xf32, #tpu.memory_space<vmem_shared>> -> memref<10240x64xf32, #tpu.memory_space<vmem_shared>>
      tpu.enqueue_indirect_dma source(%dma_start3A_158 : memref<80x64xf32, #tpu.memory_space<vmem>>) target(%dma_start3A_164 : memref<10240x64xf32, #tpu.memory_space<vmem_shared>>) offsets(%dma_start3A_161 : memref<80xi32, #tpu.memory_space<vmem>>) semaphore(%arg15 : memref<!tpu.dma_semaphore, #tpu.memory_space<semaphore_mem>>) {add = true}
      %scan3A_165 = arith.constant 1 : i32
      %ge3A_166 = arith.constant 1 : i32
      %ge3A_167 = arith.cmpi sge, %add3A_133, %ge3A_166 : i32
      %convert_element_type3A_168 = arith.extui %ge3A_167 : i1 to i32
      %cond3A_169 = arith.constant 0 : i32
      %cond3A_170 = arith.cmpi ne, %convert_element_type3A_168, %cond3A_169 : i32
      scf.if %cond3A_170 {
        %sub3A = arith.constant 1 : i32
        %sub3A_178 = arith.subi %add3A_133, %sub3A : i32
        %scan3A_179 = arith.constant 0 : i32
        %scan3A_180 = arith.constant 0 : i32
        %mul3A_181 = arith.constant 1 : i32
        %mul3A_182 = arith.muli %sub3A_178, %mul3A_181 : i32
        %add3A_183 = arith.addi %mul3A_182, %scan3A_180 : i32
        %dma_wait3A_184 = arith.constant 0 : i32
        %dma_wait3A_185 = arith.constant 0 : i32
        %dma_wait3A_186 = tpu.memref_slice %arg8[%scan3A_180, %dma_wait3A_184, %dma_wait3A_185] : memref<1x80x64xf32, #tpu.memory_space<vmem>> -> memref<1x80x64xf32, #tpu.memory_space<vmem>>
        %dma_wait3A_187 = tpu.memref_squeeze %dma_wait3A_186 : memref<1x80x64xf32, #tpu.memory_space<vmem>> -> memref<80x64xf32, #tpu.memory_space<vmem>>
        %dma_wait3A_188 = arith.constant 0 : i32
        %dma_wait3A_189 = tpu.memref_slice %arg7[%add3A_183, %dma_wait3A_188] : memref<125x80xi32, #tpu.memory_space<vmem>> -> memref<1x80xi32, #tpu.memory_space<vmem>>
        %dma_wait3A_190 = tpu.memref_squeeze %dma_wait3A_189 : memref<1x80xi32, #tpu.memory_space<vmem>> -> memref<80xi32, #tpu.memory_space<vmem>>
        %dma_wait3A_191 = arith.constant 0 : i32
        %dma_wait3A_192 = arith.constant 0 : i32
        %dma_wait3A_193 = tpu.memref_slice %arg11[%dma_wait3A_191, %dma_wait3A_192] : memref<10240x64xf32, #tpu.memory_space<vmem_shared>> -> memref<10240x64xf32, #tpu.memory_space<vmem_shared>>
        tpu.wait_indirect_dma semaphore(%arg14 : memref<!tpu.dma_semaphore, #tpu.memory_space<semaphore_mem>>) src(%dma_wait3A_187 : memref<80x64xf32, #tpu.memory_space<vmem>>) dst(%dma_wait3A_193 : memref<10240x64xf32, #tpu.memory_space<vmem_shared>>)
        %scan3A_194 = arith.constant 1 : i32
      } else {
      }
      %add3A_171 = arith.constant 1 : i32
      %add3A_172 = arith.addi %add3A_133, %add3A_171 : i32
      %lt3A_173 = arith.constant 125 : i32
      %lt3A_174 = arith.cmpi slt, %add3A_172, %lt3A_173 : i32
      %convert_element_type3A_175 = arith.extui %lt3A_174 : i1 to i32
      %cond3A_176 = arith.constant 0 : i32
      %cond3A_177 = arith.cmpi ne, %convert_element_type3A_175, %cond3A_176 : i32
      scf.if %cond3A_177 {
        %add3A_178 = arith.constant 1 : i32
        %add3A_179 = arith.addi %add3A_133, %add3A_178 : i32
        %scan3A_180 = arith.constant 0 : i32
        %scan3A_181 = arith.constant 0 : i32
        %mul3A_182 = arith.constant 1 : i32
        %mul3A_183 = arith.muli %add3A_179, %mul3A_182 : i32
        %add3A_184 = arith.addi %mul3A_183, %scan3A_181 : i32
        %dma_start3A_185 = arith.constant 0 : i32
        %dma_start3A_186 = arith.constant 0 : i32
        %dma_start3A_187 = tpu.memref_slice %arg8[%scan3A_181, %dma_start3A_185, %dma_start3A_186] : memref<1x80x64xf32, #tpu.memory_space<vmem>> -> memref<1x80x64xf32, #tpu.memory_space<vmem>>
        %dma_start3A_188 = tpu.memref_squeeze %dma_start3A_187 : memref<1x80x64xf32, #tpu.memory_space<vmem>> -> memref<80x64xf32, #tpu.memory_space<vmem>>
        %dma_start3A_189 = arith.constant 0 : i32
        %dma_start3A_190 = tpu.memref_slice %arg6[%add3A_184, %dma_start3A_189] : memref<125x80xi32, #tpu.memory_space<vmem>> -> memref<1x80xi32, #tpu.memory_space<vmem>>
        %dma_start3A_191 = tpu.memref_squeeze %dma_start3A_190 : memref<1x80xi32, #tpu.memory_space<vmem>> -> memref<80xi32, #tpu.memory_space<vmem>>
        %dma_start3A_192 = arith.constant 0 : i32
        %dma_start3A_193 = arith.constant 0 : i32
        %dma_start3A_194 = tpu.memref_slice %arg10[%dma_start3A_192, %dma_start3A_193] : memref<10240x64xf32, #tpu.memory_space<vmem_shared>> -> memref<10240x64xf32, #tpu.memory_space<vmem_shared>>
        tpu.enqueue_indirect_dma source(%dma_start3A_194 : memref<10240x64xf32, #tpu.memory_space<vmem_shared>>) target(%dma_start3A_188 : memref<80x64xf32, #tpu.memory_space<vmem>>) offsets(%dma_start3A_191 : memref<80xi32, #tpu.memory_space<vmem>>) semaphore(%arg12 : memref<!tpu.dma_semaphore, #tpu.memory_space<semaphore_mem>>)
        %scan3A_195 = arith.constant 1 : i32
      } else {
      }
    }
    %scan3A_24 = arith.constant 62 : i32
    %scan3A_25 = arith.constant 0 : i32
    %scan3A_26 = arith.constant 0 : i32
    %add3A_27 = arith.constant 124 : i32
    %add3A_28 = arith.addi %add3A_27, %scan3A_26 : i32
    %dma_wait3A = arith.constant 0 : i32
    %dma_wait3A_29 = arith.constant 0 : i32
    %dma_wait3A_30 = tpu.memref_slice %arg8[%scan3A_26, %dma_wait3A, %dma_wait3A_29] : memref<1x80x64xf32, #tpu.memory_space<vmem>> -> memref<1x80x64xf32, #tpu.memory_space<vmem>>
    %dma_wait3A_31 = tpu.memref_squeeze %dma_wait3A_30 : memref<1x80x64xf32, #tpu.memory_space<vmem>> -> memref<80x64xf32, #tpu.memory_space<vmem>>
    %dma_wait3A_32 = arith.constant 0 : i32
    %dma_wait3A_33 = tpu.memref_slice %arg6[%add3A_28, %dma_wait3A_32] : memref<125x80xi32, #tpu.memory_space<vmem>> -> memref<1x80xi32, #tpu.memory_space<vmem>>
    %dma_wait3A_34 = tpu.memref_squeeze %dma_wait3A_33 : memref<1x80xi32, #tpu.memory_space<vmem>> -> memref<80xi32, #tpu.memory_space<vmem>>
    %dma_wait3A_35 = arith.constant 0 : i32
    %dma_wait3A_36 = arith.constant 0 : i32
    %dma_wait3A_37 = tpu.memref_slice %arg10[%dma_wait3A_35, %dma_wait3A_36] : memref<10240x64xf32, #tpu.memory_space<vmem_shared>> -> memref<10240x64xf32, #tpu.memory_space<vmem_shared>>
    tpu.wait_indirect_dma semaphore(%arg12 : memref<!tpu.dma_semaphore, #tpu.memory_space<semaphore_mem>>) src(%dma_wait3A_37 : memref<10240x64xf32, #tpu.memory_space<vmem_shared>>) dst(%dma_wait3A_31 : memref<80x64xf32, #tpu.memory_space<vmem>>)
    %scan3A_38 = arith.constant 1 : i32
    %scan3A_39 = arith.constant 0 : i32
    %scan3A_40 = arith.constant 0 : i32
    %add3A_41 = arith.constant 124 : i32
    %add3A_42 = arith.addi %add3A_41, %scan3A_40 : i32
    %dma_start3A_43 = arith.constant 0 : i32
    %dma_start3A_44 = arith.constant 0 : i32
    %dma_start3A_45 = tpu.memref_slice %arg8[%scan3A_40, %dma_start3A_43, %dma_start3A_44] : memref<1x80x64xf32, #tpu.memory_space<vmem>> -> memref<1x80x64xf32, #tpu.memory_space<vmem>>
    %dma_start3A_46 = tpu.memref_squeeze %dma_start3A_45 : memref<1x80x64xf32, #tpu.memory_space<vmem>> -> memref<80x64xf32, #tpu.memory_space<vmem>>
    %dma_start3A_47 = arith.constant 0 : i32
    %dma_start3A_48 = tpu.memref_slice %arg7[%add3A_42, %dma_start3A_47] : memref<125x80xi32, #tpu.memory_space<vmem>> -> memref<1x80xi32, #tpu.memory_space<vmem>>
    %dma_start3A_49 = tpu.memref_squeeze %dma_start3A_48 : memref<1x80xi32, #tpu.memory_space<vmem>> -> memref<80xi32, #tpu.memory_space<vmem>>
    %dma_start3A_50 = arith.constant 0 : i32
    %dma_start3A_51 = arith.constant 0 : i32
    %dma_start3A_52 = tpu.memref_slice %arg11[%dma_start3A_50, %dma_start3A_51] : memref<10240x64xf32, #tpu.memory_space<vmem_shared>> -> memref<10240x64xf32, #tpu.memory_space<vmem_shared>>
    tpu.enqueue_indirect_dma source(%dma_start3A_46 : memref<80x64xf32, #tpu.memory_space<vmem>>) target(%dma_start3A_52 : memref<10240x64xf32, #tpu.memory_space<vmem_shared>>) offsets(%dma_start3A_49 : memref<80xi32, #tpu.memory_space<vmem>>) semaphore(%arg14 : memref<!tpu.dma_semaphore, #tpu.memory_space<semaphore_mem>>) {add = true}
    %scan3A_53 = arith.constant 1 : i32
    %scan3A_54 = arith.constant 0 : i32
    %scan3A_55 = arith.constant 0 : i32
    %add3A_56 = arith.constant 123 : i32
    %add3A_57 = arith.addi %add3A_56, %scan3A_55 : i32
    %dma_wait3A_58 = arith.constant 0 : i32
    %dma_wait3A_59 = arith.constant 0 : i32
    %dma_wait3A_60 = tpu.memref_slice %arg9[%scan3A_55, %dma_wait3A_58, %dma_wait3A_59] : memref<1x80x64xf32, #tpu.memory_space<vmem>> -> memref<1x80x64xf32, #tpu.memory_space<vmem>>
    %dma_wait3A_61 = tpu.memref_squeeze %dma_wait3A_60 : memref<1x80x64xf32, #tpu.memory_space<vmem>> -> memref<80x64xf32, #tpu.memory_space<vmem>>
    %dma_wait3A_62 = arith.constant 0 : i32
    %dma_wait3A_63 = tpu.memref_slice %arg7[%add3A_57, %dma_wait3A_62] : memref<125x80xi32, #tpu.memory_space<vmem>> -> memref<1x80xi32, #tpu.memory_space<vmem>>
    %dma_wait3A_64 = tpu.memref_squeeze %dma_wait3A_63 : memref<1x80xi32, #tpu.memory_space<vmem>> -> memref<80xi32, #tpu.memory_space<vmem>>
    %dma_wait3A_65 = arith.constant 0 : i32
    %dma_wait3A_66 = arith.constant 0 : i32
    %dma_wait3A_67 = tpu.memref_slice %arg11[%dma_wait3A_65, %dma_wait3A_66] : memref<10240x64xf32, #tpu.memory_space<vmem_shared>> -> memref<10240x64xf32, #tpu.memory_space<vmem_shared>>
    tpu.wait_indirect_dma semaphore(%arg15 : memref<!tpu.dma_semaphore, #tpu.memory_space<semaphore_mem>>) src(%dma_wait3A_61 : memref<80x64xf32, #tpu.memory_space<vmem>>) dst(%dma_wait3A_67 : memref<10240x64xf32, #tpu.memory_space<vmem_shared>>)
    %scan3A_68 = arith.constant 1 : i32
    %scan3A_69 = arith.constant 0 : i32
    %scan3A_70 = arith.constant 0 : i32
    %add3A_71 = arith.constant 124 : i32
    %add3A_72 = arith.addi %add3A_71, %scan3A_70 : i32
    %dma_wait3A_73 = arith.constant 0 : i32
    %dma_wait3A_74 = arith.constant 0 : i32
    %dma_wait3A_75 = tpu.memref_slice %arg8[%scan3A_70, %dma_wait3A_73, %dma_wait3A_74] : memref<1x80x64xf32, #tpu.memory_space<vmem>> -> memref<1x80x64xf32, #tpu.memory_space<vmem>>
    %dma_wait3A_76 = tpu.memref_squeeze %dma_wait3A_75 : memref<1x80x64xf32, #tpu.memory_space<vmem>> -> memref<80x64xf32, #tpu.memory_space<vmem>>
    %dma_wait3A_77 = arith.constant 0 : i32
    %dma_wait3A_78 = tpu.memref_slice %arg7[%add3A_72, %dma_wait3A_77] : memref<125x80xi32, #tpu.memory_space<vmem>> -> memref<1x80xi32, #tpu.memory_space<vmem>>
    %dma_wait3A_79 = tpu.memref_squeeze %dma_wait3A_78 : memref<1x80xi32, #tpu.memory_space<vmem>> -> memref<80xi32, #tpu.memory_space<vmem>>
    %dma_wait3A_80 = arith.constant 0 : i32
    %dma_wait3A_81 = arith.constant 0 : i32
    %dma_wait3A_82 = tpu.memref_slice %arg11[%dma_wait3A_80, %dma_wait3A_81] : memref<10240x64xf32, #tpu.memory_space<vmem_shared>> -> memref<10240x64xf32, #tpu.memory_space<vmem_shared>>
    tpu.wait_indirect_dma semaphore(%arg14 : memref<!tpu.dma_semaphore, #tpu.memory_space<semaphore_mem>>) src(%dma_wait3A_76 : memref<80x64xf32, #tpu.memory_space<vmem>>) dst(%dma_wait3A_82 : memref<10240x64xf32, #tpu.memory_space<vmem_shared>>)
    %scan3A_83 = arith.constant 1 : i32
    %barrier3A_84 = arith.constant 0 : index
    tpu.barrier barrier_id(%barrier3A_84)
    "tpu.region"() ({
      %run_scoped3A_85 = tpu.sem_alloc : memref<!tpu.dma_semaphore, #tpu.memory_space<semaphore_mem>>
      %dma_start3A_86 = arith.constant 0 : i32
      %dma_start3A_87 = tpu.memref_slice %arg5[%arg0, %mul3A_0, %dma_start3A_86] : memref<2x10240x64xf32, #tpu.memory_space<hbm>> -> memref<1x640x64xf32, #tpu.memory_space<hbm>>
      %dma_start3A_88 = tpu.memref_squeeze %dma_start3A_87 : memref<1x640x64xf32, #tpu.memory_space<hbm>> -> memref<640x64xf32, #tpu.memory_space<hbm>>
      %dma_start3A_89 = arith.constant 0 : i32
      %dma_start3A_90 = tpu.memref_slice %arg11[%mul3A_0, %dma_start3A_89] : memref<10240x64xf32, #tpu.memory_space<vmem_shared>> -> memref<640x64xf32, #tpu.memory_space<vmem_shared>>
      tpu.enqueue_dma source(%dma_start3A_90 : memref<640x64xf32, #tpu.memory_space<vmem_shared>>) target(%dma_start3A_88 : memref<640x64xf32, #tpu.memory_space<hbm>>) target_semaphore(%run_scoped3A_85 : memref<!tpu.dma_semaphore, #tpu.memory_space<semaphore_mem>>)
      %dma_wait3A_91 = arith.constant 0 : i32
      %dma_wait3A_92 = tpu.memref_slice %arg5[%arg0, %mul3A_0, %dma_wait3A_91] : memref<2x10240x64xf32, #tpu.memory_space<hbm>> -> memref<1x640x64xf32, #tpu.memory_space<hbm>>
      %dma_wait3A_93 = tpu.memref_squeeze %dma_wait3A_92 : memref<1x640x64xf32, #tpu.memory_space<hbm>> -> memref<640x64xf32, #tpu.memory_space<hbm>>
      %dma_wait3A_94 = arith.constant 0 : i32
      %dma_wait3A_95 = tpu.memref_slice %arg11[%mul3A_0, %dma_wait3A_94] : memref<10240x64xf32, #tpu.memory_space<vmem_shared>> -> memref<640x64xf32, #tpu.memory_space<vmem_shared>>
      tpu.wait_dma2 semaphore(%run_scoped3A_85 : memref<!tpu.dma_semaphore, #tpu.memory_space<semaphore_mem>>) src(%dma_wait3A_95 : memref<640x64xf32, #tpu.memory_space<vmem_shared>>) dst(%dma_wait3A_93 : memref<640x64xf32, #tpu.memory_space<hbm>>)
      tpu.yield
    }) : () -> ()
    return
  }
}

#map = affine_map<(d0, d1) -> (0, 0, 0)>
#map1 = affine_map<(d0, d1) -> (0, 0)>
module attributes {stable_mosaic.version = 14 : i64} {
  func.func @_deg_sc(%arg0: i32, %arg1: i32, %arg2: memref<2x4000x80xi32, #tpu.memory_space<hbm>>, %arg3: memref<10240x8xf32, #tpu.memory_space<hbm>>, %arg4: memref<80x8xf32, #tpu.memory_space<hbm>>, %arg5: memref<2x10240x8xf32, #tpu.memory_space<hbm>>, %arg6: memref<125x80xi32, #tpu.memory_space<vmem>>, %arg7: memref<80x8xf32, #tpu.memory_space<vmem>>, %arg8: memref<10240x8xf32, #tpu.memory_space<vmem_shared>>) attributes {dimension_semantics = [#tpu.dimension_semantics<core_parallel>, #tpu.dimension_semantics<subcore_parallel>], iteration_bounds = array<i64: 2, 16>, scalar_prefetch = 0 : i64, scratch_operands = 3 : i64, tpu.core_type = #tpu.core_type<sc_vector_subcore>, window_params = [{transform_indices = #map}, {transform_indices = #map1}, {transform_indices = #map1}, {transform_indices = #map}]} {
    %mul3A = arith.constant 640 : i32
    %mul3A_0 = arith.muli %arg1, %mul3A : i32
    %mul3A_1 = arith.constant 16 : i32
    %mul3A_2 = arith.muli %arg0, %mul3A_1 : i32
    %add3A = arith.addi %mul3A_2, %arg1 : i32
    %mul3A_3 = arith.constant 125 : i32
    %mul3A_4 = arith.muli %add3A, %mul3A_3 : i32
    "tpu.region"() ({
      %run_scoped3A_11 = tpu.sem_alloc : memref<!tpu.dma_semaphore, #tpu.memory_space<semaphore_mem>>
      %dma_start3A = arith.constant 0 : i32
      %dma_start3A_12 = tpu.memref_slice %arg8[%mul3A_0, %dma_start3A] : memref<10240x8xf32, #tpu.memory_space<vmem_shared>> -> memref<640x8xf32, #tpu.memory_space<vmem_shared>>
      %dma_start3A_13 = arith.constant 0 : i32
      %dma_start3A_14 = tpu.memref_slice %arg3[%mul3A_0, %dma_start3A_13] : memref<10240x8xf32, #tpu.memory_space<hbm>> -> memref<640x8xf32, #tpu.memory_space<hbm>>
      tpu.enqueue_dma source(%dma_start3A_14 : memref<640x8xf32, #tpu.memory_space<hbm>>) target(%dma_start3A_12 : memref<640x8xf32, #tpu.memory_space<vmem_shared>>) target_semaphore(%run_scoped3A_11 : memref<!tpu.dma_semaphore, #tpu.memory_space<semaphore_mem>>)
      %dma_wait3A = arith.constant 0 : i32
      %dma_wait3A_15 = tpu.memref_slice %arg8[%mul3A_0, %dma_wait3A] : memref<10240x8xf32, #tpu.memory_space<vmem_shared>> -> memref<640x8xf32, #tpu.memory_space<vmem_shared>>
      %dma_wait3A_16 = arith.constant 0 : i32
      %dma_wait3A_17 = tpu.memref_slice %arg3[%mul3A_0, %dma_wait3A_16] : memref<10240x8xf32, #tpu.memory_space<hbm>> -> memref<640x8xf32, #tpu.memory_space<hbm>>
      tpu.wait_dma2 semaphore(%run_scoped3A_11 : memref<!tpu.dma_semaphore, #tpu.memory_space<semaphore_mem>>) src(%dma_wait3A_17 : memref<640x8xf32, #tpu.memory_space<hbm>>) dst(%dma_wait3A_15 : memref<640x8xf32, #tpu.memory_space<vmem_shared>>)
      tpu.yield
    }) : () -> ()
    "tpu.region"() ({
      %run_scoped3A_11 = tpu.sem_alloc : memref<!tpu.dma_semaphore, #tpu.memory_space<semaphore_mem>>
      tpu.enqueue_dma source(%arg4 : memref<80x8xf32, #tpu.memory_space<hbm>>) target(%arg7 : memref<80x8xf32, #tpu.memory_space<vmem>>) target_semaphore(%run_scoped3A_11 : memref<!tpu.dma_semaphore, #tpu.memory_space<semaphore_mem>>)
      tpu.wait_dma2 semaphore(%run_scoped3A_11 : memref<!tpu.dma_semaphore, #tpu.memory_space<semaphore_mem>>) src(%arg4 : memref<80x8xf32, #tpu.memory_space<hbm>>) dst(%arg7 : memref<80x8xf32, #tpu.memory_space<vmem>>)
      tpu.yield
    }) : () -> ()
    %run_scoped3A = arith.constant 1 : i32
    "tpu.region"() ({
      %run_scoped3A_11 = tpu.sem_alloc : memref<!tpu.dma_semaphore, #tpu.memory_space<semaphore_mem>>
      %dma_start3A = arith.constant 0 : i32
      %dma_start3A_12 = tpu.memref_slice %arg2[%run_scoped3A, %mul3A_4, %dma_start3A] : memref<2x4000x80xi32, #tpu.memory_space<hbm>> -> memref<1x125x80xi32, #tpu.memory_space<hbm>>
      %dma_start3A_13 = tpu.memref_squeeze %dma_start3A_12 : memref<1x125x80xi32, #tpu.memory_space<hbm>> -> memref<125x80xi32, #tpu.memory_space<hbm>>
      %dma_start3A_14 = arith.constant 0 : i32
      %dma_start3A_15 = tpu.memref_slice %arg2[%run_scoped3A, %mul3A_4, %dma_start3A_14] : memref<2x4000x80xi32, #tpu.memory_space<hbm>> -> memref<1x125x80xi32, #tpu.memory_space<hbm>>
      %dma_start3A_16 = tpu.memref_squeeze %dma_start3A_15 : memref<1x125x80xi32, #tpu.memory_space<hbm>> -> memref<125x80xi32, #tpu.memory_space<hbm>>
      tpu.enqueue_dma source(%dma_start3A_16 : memref<125x80xi32, #tpu.memory_space<hbm>>) target(%arg6 : memref<125x80xi32, #tpu.memory_space<vmem>>) target_semaphore(%run_scoped3A_11 : memref<!tpu.dma_semaphore, #tpu.memory_space<semaphore_mem>>)
      %dma_wait3A = arith.constant 0 : i32
      %dma_wait3A_17 = tpu.memref_slice %arg2[%run_scoped3A, %mul3A_4, %dma_wait3A] : memref<2x4000x80xi32, #tpu.memory_space<hbm>> -> memref<1x125x80xi32, #tpu.memory_space<hbm>>
      %dma_wait3A_18 = tpu.memref_squeeze %dma_wait3A_17 : memref<1x125x80xi32, #tpu.memory_space<hbm>> -> memref<125x80xi32, #tpu.memory_space<hbm>>
      %dma_wait3A_19 = arith.constant 0 : i32
      %dma_wait3A_20 = tpu.memref_slice %arg2[%run_scoped3A, %mul3A_4, %dma_wait3A_19] : memref<2x4000x80xi32, #tpu.memory_space<hbm>> -> memref<1x125x80xi32, #tpu.memory_space<hbm>>
      %dma_wait3A_21 = tpu.memref_squeeze %dma_wait3A_20 : memref<1x125x80xi32, #tpu.memory_space<hbm>> -> memref<125x80xi32, #tpu.memory_space<hbm>>
      tpu.wait_dma2 semaphore(%run_scoped3A_11 : memref<!tpu.dma_semaphore, #tpu.memory_space<semaphore_mem>>) src(%dma_wait3A_21 : memref<125x80xi32, #tpu.memory_space<hbm>>) dst(%arg6 : memref<125x80xi32, #tpu.memory_space<vmem>>)
      tpu.yield
    }) : () -> ()
    %barrier3A = arith.constant 0 : index
    tpu.barrier barrier_id(%barrier3A)
    %scan3A = arith.constant 0 : i32
    %scan3A_5 = arith.constant 0 : i32
    %scan3A_6 = arith.constant 125 : i32
    %scan3A_7 = arith.addi %scan3A_5, %scan3A_6 : i32
    %scan3A_8 = arith.constant 1 : i32
    scf.for %scan3A_11 = %scan3A_5 to %scan3A_7 step %scan3A_8  : i32 {
      "tpu.region"() ({
        %run_scoped3A_12 = tpu.sem_alloc : memref<!tpu.dma_semaphore, #tpu.memory_space<semaphore_mem>>
        %dma_start3A = arith.constant 0 : i32
        %dma_start3A_13 = tpu.memref_slice %arg6[%scan3A_11, %dma_start3A] : memref<125x80xi32, #tpu.memory_space<vmem>> -> memref<1x80xi32, #tpu.memory_space<vmem>>
        %dma_start3A_14 = tpu.memref_squeeze %dma_start3A_13 : memref<1x80xi32, #tpu.memory_space<vmem>> -> memref<80xi32, #tpu.memory_space<vmem>>
        %dma_start3A_15 = arith.constant 0 : i32
        %dma_start3A_16 = arith.constant 0 : i32
        %dma_start3A_17 = tpu.memref_slice %arg8[%dma_start3A_15, %dma_start3A_16] : memref<10240x8xf32, #tpu.memory_space<vmem_shared>> -> memref<10240x8xf32, #tpu.memory_space<vmem_shared>>
        tpu.enqueue_indirect_dma source(%arg7 : memref<80x8xf32, #tpu.memory_space<vmem>>) target(%dma_start3A_17 : memref<10240x8xf32, #tpu.memory_space<vmem_shared>>) offsets(%dma_start3A_14 : memref<80xi32, #tpu.memory_space<vmem>>) semaphore(%run_scoped3A_12 : memref<!tpu.dma_semaphore, #tpu.memory_space<semaphore_mem>>) {add = true}
        %dma_wait3A = arith.constant 0 : i32
        %dma_wait3A_18 = tpu.memref_slice %arg6[%scan3A_11, %dma_wait3A] : memref<125x80xi32, #tpu.memory_space<vmem>> -> memref<1x80xi32, #tpu.memory_space<vmem>>
        %dma_wait3A_19 = tpu.memref_squeeze %dma_wait3A_18 : memref<1x80xi32, #tpu.memory_space<vmem>> -> memref<80xi32, #tpu.memory_space<vmem>>
        %dma_wait3A_20 = arith.constant 0 : i32
        %dma_wait3A_21 = arith.constant 0 : i32
        %dma_wait3A_22 = tpu.memref_slice %arg8[%dma_wait3A_20, %dma_wait3A_21] : memref<10240x8xf32, #tpu.memory_space<vmem_shared>> -> memref<10240x8xf32, #tpu.memory_space<vmem_shared>>
        tpu.wait_indirect_dma semaphore(%run_scoped3A_12 : memref<!tpu.dma_semaphore, #tpu.memory_space<semaphore_mem>>) src(%arg7 : memref<80x8xf32, #tpu.memory_space<vmem>>) dst(%dma_wait3A_22 : memref<10240x8xf32, #tpu.memory_space<vmem_shared>>)
        tpu.yield
      }) : () -> ()
    }
    %scan3A_9 = arith.constant 125 : i32
    %barrier3A_10 = arith.constant 0 : index
    tpu.barrier barrier_id(%barrier3A_10)
    "tpu.region"() ({
      %run_scoped3A_11 = tpu.sem_alloc : memref<!tpu.dma_semaphore, #tpu.memory_space<semaphore_mem>>
      %dma_start3A = arith.constant 0 : i32
      %dma_start3A_12 = tpu.memref_slice %arg5[%arg0, %mul3A_0, %dma_start3A] : memref<2x10240x8xf32, #tpu.memory_space<hbm>> -> memref<1x640x8xf32, #tpu.memory_space<hbm>>
      %dma_start3A_13 = tpu.memref_squeeze %dma_start3A_12 : memref<1x640x8xf32, #tpu.memory_space<hbm>> -> memref<640x8xf32, #tpu.memory_space<hbm>>
      %dma_start3A_14 = arith.constant 0 : i32
      %dma_start3A_15 = tpu.memref_slice %arg8[%mul3A_0, %dma_start3A_14] : memref<10240x8xf32, #tpu.memory_space<vmem_shared>> -> memref<640x8xf32, #tpu.memory_space<vmem_shared>>
      tpu.enqueue_dma source(%dma_start3A_15 : memref<640x8xf32, #tpu.memory_space<vmem_shared>>) target(%dma_start3A_13 : memref<640x8xf32, #tpu.memory_space<hbm>>) target_semaphore(%run_scoped3A_11 : memref<!tpu.dma_semaphore, #tpu.memory_space<semaphore_mem>>)
      %dma_wait3A = arith.constant 0 : i32
      %dma_wait3A_16 = tpu.memref_slice %arg5[%arg0, %mul3A_0, %dma_wait3A] : memref<2x10240x8xf32, #tpu.memory_space<hbm>> -> memref<1x640x8xf32, #tpu.memory_space<hbm>>
      %dma_wait3A_17 = tpu.memref_squeeze %dma_wait3A_16 : memref<1x640x8xf32, #tpu.memory_space<hbm>> -> memref<640x8xf32, #tpu.memory_space<hbm>>
      %dma_wait3A_18 = arith.constant 0 : i32
      %dma_wait3A_19 = tpu.memref_slice %arg8[%mul3A_0, %dma_wait3A_18] : memref<10240x8xf32, #tpu.memory_space<vmem_shared>> -> memref<640x8xf32, #tpu.memory_space<vmem_shared>>
      tpu.wait_dma2 semaphore(%run_scoped3A_11 : memref<!tpu.dma_semaphore, #tpu.memory_space<semaphore_mem>>) src(%dma_wait3A_19 : memref<640x8xf32, #tpu.memory_space<vmem_shared>>) dst(%dma_wait3A_17 : memref<640x8xf32, #tpu.memory_space<hbm>>)
      tpu.yield
    }) : () -> ()
    return
  }
}

#map = affine_map<(d0, d1) -> (0, 0)>
#map1 = affine_map<(d0, d1) -> (0, 0, 0)>
module attributes {stable_mosaic.version = 14 : i64} {
  func.func @_prop_sc(%arg0: i32, %arg1: i32, %arg2: memref<10240x64xf32, #tpu.memory_space<hbm>>, %arg3: memref<2x4000x80xi32, #tpu.memory_space<hbm>>, %arg4: memref<10240x64xf32, #tpu.memory_space<hbm>>, %arg5: memref<2x10240x64xf32, #tpu.memory_space<hbm>>, %arg6: memref<125x80xi32, #tpu.memory_space<vmem>>, %arg7: memref<125x80xi32, #tpu.memory_space<vmem>>, %arg8: memref<1x80x64xf32, #tpu.memory_space<vmem>>, %arg9: memref<1x80x64xf32, #tpu.memory_space<vmem>>, %arg10: memref<10240x64xf32, #tpu.memory_space<vmem_shared>>, %arg11: memref<10240x64xf32, #tpu.memory_space<vmem_shared>>, %arg12: memref<!tpu.dma_semaphore, #tpu.memory_space<semaphore_mem>>, %arg13: memref<!tpu.dma_semaphore, #tpu.memory_space<semaphore_mem>>, %arg14: memref<!tpu.dma_semaphore, #tpu.memory_space<semaphore_mem>>, %arg15: memref<!tpu.dma_semaphore, #tpu.memory_space<semaphore_mem>>) attributes {dimension_semantics = [#tpu.dimension_semantics<core_parallel>, #tpu.dimension_semantics<subcore_parallel>], iteration_bounds = array<i64: 2, 16>, scalar_prefetch = 0 : i64, scratch_operands = 10 : i64, tpu.core_type = #tpu.core_type<sc_vector_subcore>, window_params = [{transform_indices = #map}, {transform_indices = #map1}, {transform_indices = #map}, {transform_indices = #map1}]} {
    %mul3A = arith.constant 640 : i32
    %mul3A_0 = arith.muli %arg1, %mul3A : i32
    %mul3A_1 = arith.constant 16 : i32
    %mul3A_2 = arith.muli %arg0, %mul3A_1 : i32
    %add3A = arith.addi %mul3A_2, %arg1 : i32
    %mul3A_3 = arith.constant 125 : i32
    %mul3A_4 = arith.muli %add3A, %mul3A_3 : i32
    "tpu.region"() ({
      %run_scoped3A_85 = tpu.sem_alloc : memref<!tpu.dma_semaphore, #tpu.memory_space<semaphore_mem>>
      %dma_start3A_86 = arith.constant 0 : i32
      %dma_start3A_87 = tpu.memref_slice %arg11[%mul3A_0, %dma_start3A_86] : memref<10240x64xf32, #tpu.memory_space<vmem_shared>> -> memref<640x64xf32, #tpu.memory_space<vmem_shared>>
      %dma_start3A_88 = arith.constant 0 : i32
      %dma_start3A_89 = tpu.memref_slice %arg4[%mul3A_0, %dma_start3A_88] : memref<10240x64xf32, #tpu.memory_space<hbm>> -> memref<640x64xf32, #tpu.memory_space<hbm>>
      tpu.enqueue_dma source(%dma_start3A_89 : memref<640x64xf32, #tpu.memory_space<hbm>>) target(%dma_start3A_87 : memref<640x64xf32, #tpu.memory_space<vmem_shared>>) target_semaphore(%run_scoped3A_85 : memref<!tpu.dma_semaphore, #tpu.memory_space<semaphore_mem>>)
      %dma_wait3A_90 = arith.constant 0 : i32
      %dma_wait3A_91 = tpu.memref_slice %arg11[%mul3A_0, %dma_wait3A_90] : memref<10240x64xf32, #tpu.memory_space<vmem_shared>> -> memref<640x64xf32, #tpu.memory_space<vmem_shared>>
      %dma_wait3A_92 = arith.constant 0 : i32
      %dma_wait3A_93 = tpu.memref_slice %arg4[%mul3A_0, %dma_wait3A_92] : memref<10240x64xf32, #tpu.memory_space<hbm>> -> memref<640x64xf32, #tpu.memory_space<hbm>>
      tpu.wait_dma2 semaphore(%run_scoped3A_85 : memref<!tpu.dma_semaphore, #tpu.memory_space<semaphore_mem>>) src(%dma_wait3A_93 : memref<640x64xf32, #tpu.memory_space<hbm>>) dst(%dma_wait3A_91 : memref<640x64xf32, #tpu.memory_space<vmem_shared>>)
      tpu.yield
    }) : () -> ()
    "tpu.region"() ({
      %run_scoped3A_85 = tpu.sem_alloc : memref<!tpu.dma_semaphore, #tpu.memory_space<semaphore_mem>>
      %dma_start3A_86 = arith.constant 0 : i32
      %dma_start3A_87 = tpu.memref_slice %arg10[%mul3A_0, %dma_start3A_86] : memref<10240x64xf32, #tpu.memory_space<vmem_shared>> -> memref<640x64xf32, #tpu.memory_space<vmem_shared>>
      %dma_start3A_88 = arith.constant 0 : i32
      %dma_start3A_89 = tpu.memref_slice %arg2[%mul3A_0, %dma_start3A_88] : memref<10240x64xf32, #tpu.memory_space<hbm>> -> memref<640x64xf32, #tpu.memory_space<hbm>>
      tpu.enqueue_dma source(%dma_start3A_89 : memref<640x64xf32, #tpu.memory_space<hbm>>) target(%dma_start3A_87 : memref<640x64xf32, #tpu.memory_space<vmem_shared>>) target_semaphore(%run_scoped3A_85 : memref<!tpu.dma_semaphore, #tpu.memory_space<semaphore_mem>>)
      %dma_wait3A_90 = arith.constant 0 : i32
      %dma_wait3A_91 = tpu.memref_slice %arg10[%mul3A_0, %dma_wait3A_90] : memref<10240x64xf32, #tpu.memory_space<vmem_shared>> -> memref<640x64xf32, #tpu.memory_space<vmem_shared>>
      %dma_wait3A_92 = arith.constant 0 : i32
      %dma_wait3A_93 = tpu.memref_slice %arg2[%mul3A_0, %dma_wait3A_92] : memref<10240x64xf32, #tpu.memory_space<hbm>> -> memref<640x64xf32, #tpu.memory_space<hbm>>
      tpu.wait_dma2 semaphore(%run_scoped3A_85 : memref<!tpu.dma_semaphore, #tpu.memory_space<semaphore_mem>>) src(%dma_wait3A_93 : memref<640x64xf32, #tpu.memory_space<hbm>>) dst(%dma_wait3A_91 : memref<640x64xf32, #tpu.memory_space<vmem_shared>>)
      tpu.yield
    }) : () -> ()
    %run_scoped3A = arith.constant 0 : i32
    "tpu.region"() ({
      %run_scoped3A_85 = tpu.sem_alloc : memref<!tpu.dma_semaphore, #tpu.memory_space<semaphore_mem>>
      %dma_start3A_86 = arith.constant 0 : i32
      %dma_start3A_87 = tpu.memref_slice %arg3[%run_scoped3A, %mul3A_4, %dma_start3A_86] : memref<2x4000x80xi32, #tpu.memory_space<hbm>> -> memref<1x125x80xi32, #tpu.memory_space<hbm>>
      %dma_start3A_88 = tpu.memref_squeeze %dma_start3A_87 : memref<1x125x80xi32, #tpu.memory_space<hbm>> -> memref<125x80xi32, #tpu.memory_space<hbm>>
      %dma_start3A_89 = arith.constant 0 : i32
      %dma_start3A_90 = tpu.memref_slice %arg3[%run_scoped3A, %mul3A_4, %dma_start3A_89] : memref<2x4000x80xi32, #tpu.memory_space<hbm>> -> memref<1x125x80xi32, #tpu.memory_space<hbm>>
      %dma_start3A_91 = tpu.memref_squeeze %dma_start3A_90 : memref<1x125x80xi32, #tpu.memory_space<hbm>> -> memref<125x80xi32, #tpu.memory_space<hbm>>
      tpu.enqueue_dma source(%dma_start3A_91 : memref<125x80xi32, #tpu.memory_space<hbm>>) target(%arg6 : memref<125x80xi32, #tpu.memory_space<vmem>>) target_semaphore(%run_scoped3A_85 : memref<!tpu.dma_semaphore, #tpu.memory_space<semaphore_mem>>)
      %dma_wait3A_92 = arith.constant 0 : i32
      %dma_wait3A_93 = tpu.memref_slice %arg3[%run_scoped3A, %mul3A_4, %dma_wait3A_92] : memref<2x4000x80xi32, #tpu.memory_space<hbm>> -> memref<1x125x80xi32, #tpu.memory_space<hbm>>
      %dma_wait3A_94 = tpu.memref_squeeze %dma_wait3A_93 : memref<1x125x80xi32, #tpu.memory_space<hbm>> -> memref<125x80xi32, #tpu.memory_space<hbm>>
      %dma_wait3A_95 = arith.constant 0 : i32
      %dma_wait3A_96 = tpu.memref_slice %arg3[%run_scoped3A, %mul3A_4, %dma_wait3A_95] : memref<2x4000x80xi32, #tpu.memory_space<hbm>> -> memref<1x125x80xi32, #tpu.memory_space<hbm>>
      %dma_wait3A_97 = tpu.memref_squeeze %dma_wait3A_96 : memref<1x125x80xi32, #tpu.memory_space<hbm>> -> memref<125x80xi32, #tpu.memory_space<hbm>>
      tpu.wait_dma2 semaphore(%run_scoped3A_85 : memref<!tpu.dma_semaphore, #tpu.memory_space<semaphore_mem>>) src(%dma_wait3A_97 : memref<125x80xi32, #tpu.memory_space<hbm>>) dst(%arg6 : memref<125x80xi32, #tpu.memory_space<vmem>>)
      tpu.yield
    }) : () -> ()
    %run_scoped3A_5 = arith.constant 1 : i32
    "tpu.region"() ({
      %run_scoped3A_85 = tpu.sem_alloc : memref<!tpu.dma_semaphore, #tpu.memory_space<semaphore_mem>>
      %dma_start3A_86 = arith.constant 0 : i32
      %dma_start3A_87 = tpu.memref_slice %arg3[%run_scoped3A_5, %mul3A_4, %dma_start3A_86] : memref<2x4000x80xi32, #tpu.memory_space<hbm>> -> memref<1x125x80xi32, #tpu.memory_space<hbm>>
      %dma_start3A_88 = tpu.memref_squeeze %dma_start3A_87 : memref<1x125x80xi32, #tpu.memory_space<hbm>> -> memref<125x80xi32, #tpu.memory_space<hbm>>
      %dma_start3A_89 = arith.constant 0 : i32
      %dma_start3A_90 = tpu.memref_slice %arg3[%run_scoped3A_5, %mul3A_4, %dma_start3A_89] : memref<2x4000x80xi32, #tpu.memory_space<hbm>> -> memref<1x125x80xi32, #tpu.memory_space<hbm>>
      %dma_start3A_91 = tpu.memref_squeeze %dma_start3A_90 : memref<1x125x80xi32, #tpu.memory_space<hbm>> -> memref<125x80xi32, #tpu.memory_space<hbm>>
      tpu.enqueue_dma source(%dma_start3A_91 : memref<125x80xi32, #tpu.memory_space<hbm>>) target(%arg7 : memref<125x80xi32, #tpu.memory_space<vmem>>) target_semaphore(%run_scoped3A_85 : memref<!tpu.dma_semaphore, #tpu.memory_space<semaphore_mem>>)
      %dma_wait3A_92 = arith.constant 0 : i32
      %dma_wait3A_93 = tpu.memref_slice %arg3[%run_scoped3A_5, %mul3A_4, %dma_wait3A_92] : memref<2x4000x80xi32, #tpu.memory_space<hbm>> -> memref<1x125x80xi32, #tpu.memory_space<hbm>>
      %dma_wait3A_94 = tpu.memref_squeeze %dma_wait3A_93 : memref<1x125x80xi32, #tpu.memory_space<hbm>> -> memref<125x80xi32, #tpu.memory_space<hbm>>
      %dma_wait3A_95 = arith.constant 0 : i32
      %dma_wait3A_96 = tpu.memref_slice %arg3[%run_scoped3A_5, %mul3A_4, %dma_wait3A_95] : memref<2x4000x80xi32, #tpu.memory_space<hbm>> -> memref<1x125x80xi32, #tpu.memory_space<hbm>>
      %dma_wait3A_97 = tpu.memref_squeeze %dma_wait3A_96 : memref<1x125x80xi32, #tpu.memory_space<hbm>> -> memref<125x80xi32, #tpu.memory_space<hbm>>
      tpu.wait_dma2 semaphore(%run_scoped3A_85 : memref<!tpu.dma_semaphore, #tpu.memory_space<semaphore_mem>>) src(%dma_wait3A_97 : memref<125x80xi32, #tpu.memory_space<hbm>>) dst(%arg7 : memref<125x80xi32, #tpu.memory_space<vmem>>)
      tpu.yield
    }) : () -> ()
    %barrier3A = arith.constant 0 : index
    tpu.barrier barrier_id(%barrier3A)
    %scan3A = arith.constant 0 : i32
    %scan3A_6 = arith.constant 0 : i32
    %add3A_7 = arith.constant 0 : i32
    %add3A_8 = arith.addi %add3A_7, %scan3A_6 : i32
    %dma_start3A = arith.constant 0 : i32
    %dma_start3A_9 = arith.constant 0 : i32
    %dma_start3A_10 = tpu.memref_slice %arg8[%scan3A_6, %dma_start3A, %dma_start3A_9] : memref<1x80x64xf32, #tpu.memory_space<vmem>> -> memref<1x80x64xf32, #tpu.memory_space<vmem>>
    %dma_start3A_11 = tpu.memref_squeeze %dma_start3A_10 : memref<1x80x64xf32, #tpu.memory_space<vmem>> -> memref<80x64xf32, #tpu.memory_space<vmem>>
    %dma_start3A_12 = arith.constant 0 : i32
    %dma_start3A_13 = tpu.memref_slice %arg6[%add3A_8, %dma_start3A_12] : memref<125x80xi32, #tpu.memory_space<vmem>> -> memref<1x80xi32, #tpu.memory_space<vmem>>
    %dma_start3A_14 = tpu.memref_squeeze %dma_start3A_13 : memref<1x80xi32, #tpu.memory_space<vmem>> -> memref<80xi32, #tpu.memory_space<vmem>>
    %dma_start3A_15 = arith.constant 0 : i32
    %dma_start3A_16 = arith.constant 0 : i32
    %dma_start3A_17 = tpu.memref_slice %arg10[%dma_start3A_15, %dma_start3A_16] : memref<10240x64xf32, #tpu.memory_space<vmem_shared>> -> memref<10240x64xf32, #tpu.memory_space<vmem_shared>>
    tpu.enqueue_indirect_dma source(%dma_start3A_17 : memref<10240x64xf32, #tpu.memory_space<vmem_shared>>) target(%dma_start3A_11 : memref<80x64xf32, #tpu.memory_space<vmem>>) offsets(%dma_start3A_14 : memref<80xi32, #tpu.memory_space<vmem>>) semaphore(%arg12 : memref<!tpu.dma_semaphore, #tpu.memory_space<semaphore_mem>>)
    %scan3A_18 = arith.constant 1 : i32
    %scan3A_19 = arith.constant 0 : i32
    %scan3A_20 = arith.constant 0 : i32
    %scan3A_21 = arith.constant 62 : i32
    %scan3A_22 = arith.addi %scan3A_20, %scan3A_21 : i32
    %scan3A_23 = arith.constant 1 : i32
    scf.for %scan3A_85 = %scan3A_20 to %scan3A_22 step %scan3A_23  : i32 {
      %mul3A_86 = arith.constant 2 : i32
      %mul3A_87 = arith.muli %mul3A_86, %scan3A_85 : i32
      %add3A_88 = arith.constant 0 : i32
      %add3A_89 = arith.addi %mul3A_87, %add3A_88 : i32
      %scan3A_90 = arith.constant 0 : i32
      %scan3A_91 = arith.constant 0 : i32
      %mul3A_92 = arith.constant 1 : i32
      %mul3A_93 = arith.muli %add3A_89, %mul3A_92 : i32
      %add3A_94 = arith.addi %mul3A_93, %scan3A_91 : i32
      %dma_wait3A_95 = arith.constant 0 : i32
      %dma_wait3A_96 = arith.constant 0 : i32
      %dma_wait3A_97 = tpu.memref_slice %arg8[%scan3A_91, %dma_wait3A_95, %dma_wait3A_96] : memref<1x80x64xf32, #tpu.memory_space<vmem>> -> memref<1x80x64xf32, #tpu.memory_space<vmem>>
      %dma_wait3A_98 = tpu.memref_squeeze %dma_wait3A_97 : memref<1x80x64xf32, #tpu.memory_space<vmem>> -> memref<80x64xf32, #tpu.memory_space<vmem>>
      %dma_wait3A_99 = arith.constant 0 : i32
      %dma_wait3A_100 = tpu.memref_slice %arg6[%add3A_94, %dma_wait3A_99] : memref<125x80xi32, #tpu.memory_space<vmem>> -> memref<1x80xi32, #tpu.memory_space<vmem>>
      %dma_wait3A_101 = tpu.memref_squeeze %dma_wait3A_100 : memref<1x80xi32, #tpu.memory_space<vmem>> -> memref<80xi32, #tpu.memory_space<vmem>>
      %dma_wait3A_102 = arith.constant 0 : i32
      %dma_wait3A_103 = arith.constant 0 : i32
      %dma_wait3A_104 = tpu.memref_slice %arg10[%dma_wait3A_102, %dma_wait3A_103] : memref<10240x64xf32, #tpu.memory_space<vmem_shared>> -> memref<10240x64xf32, #tpu.memory_space<vmem_shared>>
      tpu.wait_indirect_dma semaphore(%arg12 : memref<!tpu.dma_semaphore, #tpu.memory_space<semaphore_mem>>) src(%dma_wait3A_104 : memref<10240x64xf32, #tpu.memory_space<vmem_shared>>) dst(%dma_wait3A_98 : memref<80x64xf32, #tpu.memory_space<vmem>>)
      %scan3A_105 = arith.constant 1 : i32
      %scan3A_106 = arith.constant 0 : i32
      %scan3A_107 = arith.constant 0 : i32
      %mul3A_108 = arith.constant 1 : i32
      %mul3A_109 = arith.muli %add3A_89, %mul3A_108 : i32
      %add3A_110 = arith.addi %mul3A_109, %scan3A_107 : i32
      %dma_start3A_111 = arith.constant 0 : i32
      %dma_start3A_112 = arith.constant 0 : i32
      %dma_start3A_113 = tpu.memref_slice %arg8[%scan3A_107, %dma_start3A_111, %dma_start3A_112] : memref<1x80x64xf32, #tpu.memory_space<vmem>> -> memref<1x80x64xf32, #tpu.memory_space<vmem>>
      %dma_start3A_114 = tpu.memref_squeeze %dma_start3A_113 : memref<1x80x64xf32, #tpu.memory_space<vmem>> -> memref<80x64xf32, #tpu.memory_space<vmem>>
      %dma_start3A_115 = arith.constant 0 : i32
      %dma_start3A_116 = tpu.memref_slice %arg7[%add3A_110, %dma_start3A_115] : memref<125x80xi32, #tpu.memory_space<vmem>> -> memref<1x80xi32, #tpu.memory_space<vmem>>
      %dma_start3A_117 = tpu.memref_squeeze %dma_start3A_116 : memref<1x80xi32, #tpu.memory_space<vmem>> -> memref<80xi32, #tpu.memory_space<vmem>>
      %dma_start3A_118 = arith.constant 0 : i32
      %dma_start3A_119 = arith.constant 0 : i32
      %dma_start3A_120 = tpu.memref_slice %arg11[%dma_start3A_118, %dma_start3A_119] : memref<10240x64xf32, #tpu.memory_space<vmem_shared>> -> memref<10240x64xf32, #tpu.memory_space<vmem_shared>>
      tpu.enqueue_indirect_dma source(%dma_start3A_114 : memref<80x64xf32, #tpu.memory_space<vmem>>) target(%dma_start3A_120 : memref<10240x64xf32, #tpu.memory_space<vmem_shared>>) offsets(%dma_start3A_117 : memref<80xi32, #tpu.memory_space<vmem>>) semaphore(%arg14 : memref<!tpu.dma_semaphore, #tpu.memory_space<semaphore_mem>>) {add = true}
      %scan3A_121 = arith.constant 1 : i32
      %ge3A = arith.constant 1 : i32
      %ge3A_122 = arith.cmpi sge, %add3A_89, %ge3A : i32
      %convert_element_type3A = arith.extui %ge3A_122 : i1 to i32
      %cond3A = arith.constant 0 : i32
      %cond3A_123 = arith.cmpi ne, %convert_element_type3A, %cond3A : i32
      scf.if %cond3A_123 {
        %sub3A = arith.constant 1 : i32
        %sub3A_178 = arith.subi %add3A_89, %sub3A : i32
        %scan3A_179 = arith.constant 0 : i32
        %scan3A_180 = arith.constant 0 : i32
        %mul3A_181 = arith.constant 1 : i32
        %mul3A_182 = arith.muli %sub3A_178, %mul3A_181 : i32
        %add3A_183 = arith.addi %mul3A_182, %scan3A_180 : i32
        %dma_wait3A_184 = arith.constant 0 : i32
        %dma_wait3A_185 = arith.constant 0 : i32
        %dma_wait3A_186 = tpu.memref_slice %arg9[%scan3A_180, %dma_wait3A_184, %dma_wait3A_185] : memref<1x80x64xf32, #tpu.memory_space<vmem>> -> memref<1x80x64xf32, #tpu.memory_space<vmem>>
        %dma_wait3A_187 = tpu.memref_squeeze %dma_wait3A_186 : memref<1x80x64xf32, #tpu.memory_space<vmem>> -> memref<80x64xf32, #tpu.memory_space<vmem>>
        %dma_wait3A_188 = arith.constant 0 : i32
        %dma_wait3A_189 = tpu.memref_slice %arg7[%add3A_183, %dma_wait3A_188] : memref<125x80xi32, #tpu.memory_space<vmem>> -> memref<1x80xi32, #tpu.memory_space<vmem>>
        %dma_wait3A_190 = tpu.memref_squeeze %dma_wait3A_189 : memref<1x80xi32, #tpu.memory_space<vmem>> -> memref<80xi32, #tpu.memory_space<vmem>>
        %dma_wait3A_191 = arith.constant 0 : i32
        %dma_wait3A_192 = arith.constant 0 : i32
        %dma_wait3A_193 = tpu.memref_slice %arg11[%dma_wait3A_191, %dma_wait3A_192] : memref<10240x64xf32, #tpu.memory_space<vmem_shared>> -> memref<10240x64xf32, #tpu.memory_space<vmem_shared>>
        tpu.wait_indirect_dma semaphore(%arg15 : memref<!tpu.dma_semaphore, #tpu.memory_space<semaphore_mem>>) src(%dma_wait3A_187 : memref<80x64xf32, #tpu.memory_space<vmem>>) dst(%dma_wait3A_193 : memref<10240x64xf32, #tpu.memory_space<vmem_shared>>)
        %scan3A_194 = arith.constant 1 : i32
      } else {
      }
      %add3A_124 = arith.constant 1 : i32
      %add3A_125 = arith.addi %add3A_89, %add3A_124 : i32
      %lt3A = arith.constant 125 : i32
      %lt3A_126 = arith.cmpi slt, %add3A_125, %lt3A : i32
      %convert_element_type3A_127 = arith.extui %lt3A_126 : i1 to i32
      %cond3A_128 = arith.constant 0 : i32
      %cond3A_129 = arith.cmpi ne, %convert_element_type3A_127, %cond3A_128 : i32
      scf.if %cond3A_129 {
        %add3A_178 = arith.constant 1 : i32
        %add3A_179 = arith.addi %add3A_89, %add3A_178 : i32
        %scan3A_180 = arith.constant 0 : i32
        %scan3A_181 = arith.constant 0 : i32
        %mul3A_182 = arith.constant 1 : i32
        %mul3A_183 = arith.muli %add3A_179, %mul3A_182 : i32
        %add3A_184 = arith.addi %mul3A_183, %scan3A_181 : i32
        %dma_start3A_185 = arith.constant 0 : i32
        %dma_start3A_186 = arith.constant 0 : i32
        %dma_start3A_187 = tpu.memref_slice %arg9[%scan3A_181, %dma_start3A_185, %dma_start3A_186] : memref<1x80x64xf32, #tpu.memory_space<vmem>> -> memref<1x80x64xf32, #tpu.memory_space<vmem>>
        %dma_start3A_188 = tpu.memref_squeeze %dma_start3A_187 : memref<1x80x64xf32, #tpu.memory_space<vmem>> -> memref<80x64xf32, #tpu.memory_space<vmem>>
        %dma_start3A_189 = arith.constant 0 : i32
        %dma_start3A_190 = tpu.memref_slice %arg6[%add3A_184, %dma_start3A_189] : memref<125x80xi32, #tpu.memory_space<vmem>> -> memref<1x80xi32, #tpu.memory_space<vmem>>
        %dma_start3A_191 = tpu.memref_squeeze %dma_start3A_190 : memref<1x80xi32, #tpu.memory_space<vmem>> -> memref<80xi32, #tpu.memory_space<vmem>>
        %dma_start3A_192 = arith.constant 0 : i32
        %dma_start3A_193 = arith.constant 0 : i32
        %dma_start3A_194 = tpu.memref_slice %arg10[%dma_start3A_192, %dma_start3A_193] : memref<10240x64xf32, #tpu.memory_space<vmem_shared>> -> memref<10240x64xf32, #tpu.memory_space<vmem_shared>>
        tpu.enqueue_indirect_dma source(%dma_start3A_194 : memref<10240x64xf32, #tpu.memory_space<vmem_shared>>) target(%dma_start3A_188 : memref<80x64xf32, #tpu.memory_space<vmem>>) offsets(%dma_start3A_191 : memref<80xi32, #tpu.memory_space<vmem>>) semaphore(%arg13 : memref<!tpu.dma_semaphore, #tpu.memory_space<semaphore_mem>>)
        %scan3A_195 = arith.constant 1 : i32
      } else {
      }
      %mul3A_130 = arith.constant 2 : i32
      %mul3A_131 = arith.muli %mul3A_130, %scan3A_85 : i32
      %add3A_132 = arith.constant 1 : i32
      %add3A_133 = arith.addi %mul3A_131, %add3A_132 : i32
      %scan3A_134 = arith.constant 0 : i32
      %scan3A_135 = arith.constant 0 : i32
      %mul3A_136 = arith.constant 1 : i32
      %mul3A_137 = arith.muli %add3A_133, %mul3A_136 : i32
      %add3A_138 = arith.addi %mul3A_137, %scan3A_135 : i32
      %dma_wait3A_139 = arith.constant 0 : i32
      %dma_wait3A_140 = arith.constant 0 : i32
      %dma_wait3A_141 = tpu.memref_slice %arg9[%scan3A_135, %dma_wait3A_139, %dma_wait3A_140] : memref<1x80x64xf32, #tpu.memory_space<vmem>> -> memref<1x80x64xf32, #tpu.memory_space<vmem>>
      %dma_wait3A_142 = tpu.memref_squeeze %dma_wait3A_141 : memref<1x80x64xf32, #tpu.memory_space<vmem>> -> memref<80x64xf32, #tpu.memory_space<vmem>>
      %dma_wait3A_143 = arith.constant 0 : i32
      %dma_wait3A_144 = tpu.memref_slice %arg6[%add3A_138, %dma_wait3A_143] : memref<125x80xi32, #tpu.memory_space<vmem>> -> memref<1x80xi32, #tpu.memory_space<vmem>>
      %dma_wait3A_145 = tpu.memref_squeeze %dma_wait3A_144 : memref<1x80xi32, #tpu.memory_space<vmem>> -> memref<80xi32, #tpu.memory_space<vmem>>
      %dma_wait3A_146 = arith.constant 0 : i32
      %dma_wait3A_147 = arith.constant 0 : i32
      %dma_wait3A_148 = tpu.memref_slice %arg10[%dma_wait3A_146, %dma_wait3A_147] : memref<10240x64xf32, #tpu.memory_space<vmem_shared>> -> memref<10240x64xf32, #tpu.memory_space<vmem_shared>>
      tpu.wait_indirect_dma semaphore(%arg13 : memref<!tpu.dma_semaphore, #tpu.memory_space<semaphore_mem>>) src(%dma_wait3A_148 : memref<10240x64xf32, #tpu.memory_space<vmem_shared>>) dst(%dma_wait3A_142 : memref<80x64xf32, #tpu.memory_space<vmem>>)
      %scan3A_149 = arith.constant 1 : i32
      %scan3A_150 = arith.constant 0 : i32
      %scan3A_151 = arith.constant 0 : i32
      %mul3A_152 = arith.constant 1 : i32
      %mul3A_153 = arith.muli %add3A_133, %mul3A_152 : i32
      %add3A_154 = arith.addi %mul3A_153, %scan3A_151 : i32
      %dma_start3A_155 = arith.constant 0 : i32
      %dma_start3A_156 = arith.constant 0 : i32
      %dma_start3A_157 = tpu.memref_slice %arg9[%scan3A_151, %dma_start3A_155, %dma_start3A_156] : memref<1x80x64xf32, #tpu.memory_space<vmem>> -> memref<1x80x64xf32, #tpu.memory_space<vmem>>
      %dma_start3A_158 = tpu.memref_squeeze %dma_start3A_157 : memref<1x80x64xf32, #tpu.memory_space<vmem>> -> memref<80x64xf32, #tpu.memory_space<vmem>>
      %dma_start3A_159 = arith.constant 0 : i32
      %dma_start3A_160 = tpu.memref_slice %arg7[%add3A_154, %dma_start3A_159] : memref<125x80xi32, #tpu.memory_space<vmem>> -> memref<1x80xi32, #tpu.memory_space<vmem>>
      %dma_start3A_161 = tpu.memref_squeeze %dma_start3A_160 : memref<1x80xi32, #tpu.memory_space<vmem>> -> memref<80xi32, #tpu.memory_space<vmem>>
      %dma_start3A_162 = arith.constant 0 : i32
      %dma_start3A_163 = arith.constant 0 : i32
      %dma_start3A_164 = tpu.memref_slice %arg11[%dma_start3A_162, %dma_start3A_163] : memref<10240x64xf32, #tpu.memory_space<vmem_shared>> -> memref<10240x64xf32, #tpu.memory_space<vmem_shared>>
      tpu.enqueue_indirect_dma source(%dma_start3A_158 : memref<80x64xf32, #tpu.memory_space<vmem>>) target(%dma_start3A_164 : memref<10240x64xf32, #tpu.memory_space<vmem_shared>>) offsets(%dma_start3A_161 : memref<80xi32, #tpu.memory_space<vmem>>) semaphore(%arg15 : memref<!tpu.dma_semaphore, #tpu.memory_space<semaphore_mem>>) {add = true}
      %scan3A_165 = arith.constant 1 : i32
      %ge3A_166 = arith.constant 1 : i32
      %ge3A_167 = arith.cmpi sge, %add3A_133, %ge3A_166 : i32
      %convert_element_type3A_168 = arith.extui %ge3A_167 : i1 to i32
      %cond3A_169 = arith.constant 0 : i32
      %cond3A_170 = arith.cmpi ne, %convert_element_type3A_168, %cond3A_169 : i32
      scf.if %cond3A_170 {
        %sub3A = arith.constant 1 : i32
        %sub3A_178 = arith.subi %add3A_133, %sub3A : i32
        %scan3A_179 = arith.constant 0 : i32
        %scan3A_180 = arith.constant 0 : i32
        %mul3A_181 = arith.constant 1 : i32
        %mul3A_182 = arith.muli %sub3A_178, %mul3A_181 : i32
        %add3A_183 = arith.addi %mul3A_182, %scan3A_180 : i32
        %dma_wait3A_184 = arith.constant 0 : i32
        %dma_wait3A_185 = arith.constant 0 : i32
        %dma_wait3A_186 = tpu.memref_slice %arg8[%scan3A_180, %dma_wait3A_184, %dma_wait3A_185] : memref<1x80x64xf32, #tpu.memory_space<vmem>> -> memref<1x80x64xf32, #tpu.memory_space<vmem>>
        %dma_wait3A_187 = tpu.memref_squeeze %dma_wait3A_186 : memref<1x80x64xf32, #tpu.memory_space<vmem>> -> memref<80x64xf32, #tpu.memory_space<vmem>>
        %dma_wait3A_188 = arith.constant 0 : i32
        %dma_wait3A_189 = tpu.memref_slice %arg7[%add3A_183, %dma_wait3A_188] : memref<125x80xi32, #tpu.memory_space<vmem>> -> memref<1x80xi32, #tpu.memory_space<vmem>>
        %dma_wait3A_190 = tpu.memref_squeeze %dma_wait3A_189 : memref<1x80xi32, #tpu.memory_space<vmem>> -> memref<80xi32, #tpu.memory_space<vmem>>
        %dma_wait3A_191 = arith.constant 0 : i32
        %dma_wait3A_192 = arith.constant 0 : i32
        %dma_wait3A_193 = tpu.memref_slice %arg11[%dma_wait3A_191, %dma_wait3A_192] : memref<10240x64xf32, #tpu.memory_space<vmem_shared>> -> memref<10240x64xf32, #tpu.memory_space<vmem_shared>>
        tpu.wait_indirect_dma semaphore(%arg14 : memref<!tpu.dma_semaphore, #tpu.memory_space<semaphore_mem>>) src(%dma_wait3A_187 : memref<80x64xf32, #tpu.memory_space<vmem>>) dst(%dma_wait3A_193 : memref<10240x64xf32, #tpu.memory_space<vmem_shared>>)
        %scan3A_194 = arith.constant 1 : i32
      } else {
      }
      %add3A_171 = arith.constant 1 : i32
      %add3A_172 = arith.addi %add3A_133, %add3A_171 : i32
      %lt3A_173 = arith.constant 125 : i32
      %lt3A_174 = arith.cmpi slt, %add3A_172, %lt3A_173 : i32
      %convert_element_type3A_175 = arith.extui %lt3A_174 : i1 to i32
      %cond3A_176 = arith.constant 0 : i32
      %cond3A_177 = arith.cmpi ne, %convert_element_type3A_175, %cond3A_176 : i32
      scf.if %cond3A_177 {
        %add3A_178 = arith.constant 1 : i32
        %add3A_179 = arith.addi %add3A_133, %add3A_178 : i32
        %scan3A_180 = arith.constant 0 : i32
        %scan3A_181 = arith.constant 0 : i32
        %mul3A_182 = arith.constant 1 : i32
        %mul3A_183 = arith.muli %add3A_179, %mul3A_182 : i32
        %add3A_184 = arith.addi %mul3A_183, %scan3A_181 : i32
        %dma_start3A_185 = arith.constant 0 : i32
        %dma_start3A_186 = arith.constant 0 : i32
        %dma_start3A_187 = tpu.memref_slice %arg8[%scan3A_181, %dma_start3A_185, %dma_start3A_186] : memref<1x80x64xf32, #tpu.memory_space<vmem>> -> memref<1x80x64xf32, #tpu.memory_space<vmem>>
        %dma_start3A_188 = tpu.memref_squeeze %dma_start3A_187 : memref<1x80x64xf32, #tpu.memory_space<vmem>> -> memref<80x64xf32, #tpu.memory_space<vmem>>
        %dma_start3A_189 = arith.constant 0 : i32
        %dma_start3A_190 = tpu.memref_slice %arg6[%add3A_184, %dma_start3A_189] : memref<125x80xi32, #tpu.memory_space<vmem>> -> memref<1x80xi32, #tpu.memory_space<vmem>>
        %dma_start3A_191 = tpu.memref_squeeze %dma_start3A_190 : memref<1x80xi32, #tpu.memory_space<vmem>> -> memref<80xi32, #tpu.memory_space<vmem>>
        %dma_start3A_192 = arith.constant 0 : i32
        %dma_start3A_193 = arith.constant 0 : i32
        %dma_start3A_194 = tpu.memref_slice %arg10[%dma_start3A_192, %dma_start3A_193] : memref<10240x64xf32, #tpu.memory_space<vmem_shared>> -> memref<10240x64xf32, #tpu.memory_space<vmem_shared>>
        tpu.enqueue_indirect_dma source(%dma_start3A_194 : memref<10240x64xf32, #tpu.memory_space<vmem_shared>>) target(%dma_start3A_188 : memref<80x64xf32, #tpu.memory_space<vmem>>) offsets(%dma_start3A_191 : memref<80xi32, #tpu.memory_space<vmem>>) semaphore(%arg12 : memref<!tpu.dma_semaphore, #tpu.memory_space<semaphore_mem>>)
        %scan3A_195 = arith.constant 1 : i32
      } else {
      }
    }
    %scan3A_24 = arith.constant 62 : i32
    %scan3A_25 = arith.constant 0 : i32
    %scan3A_26 = arith.constant 0 : i32
    %add3A_27 = arith.constant 124 : i32
    %add3A_28 = arith.addi %add3A_27, %scan3A_26 : i32
    %dma_wait3A = arith.constant 0 : i32
    %dma_wait3A_29 = arith.constant 0 : i32
    %dma_wait3A_30 = tpu.memref_slice %arg8[%scan3A_26, %dma_wait3A, %dma_wait3A_29] : memref<1x80x64xf32, #tpu.memory_space<vmem>> -> memref<1x80x64xf32, #tpu.memory_space<vmem>>
    %dma_wait3A_31 = tpu.memref_squeeze %dma_wait3A_30 : memref<1x80x64xf32, #tpu.memory_space<vmem>> -> memref<80x64xf32, #tpu.memory_space<vmem>>
    %dma_wait3A_32 = arith.constant 0 : i32
    %dma_wait3A_33 = tpu.memref_slice %arg6[%add3A_28, %dma_wait3A_32] : memref<125x80xi32, #tpu.memory_space<vmem>> -> memref<1x80xi32, #tpu.memory_space<vmem>>
    %dma_wait3A_34 = tpu.memref_squeeze %dma_wait3A_33 : memref<1x80xi32, #tpu.memory_space<vmem>> -> memref<80xi32, #tpu.memory_space<vmem>>
    %dma_wait3A_35 = arith.constant 0 : i32
    %dma_wait3A_36 = arith.constant 0 : i32
    %dma_wait3A_37 = tpu.memref_slice %arg10[%dma_wait3A_35, %dma_wait3A_36] : memref<10240x64xf32, #tpu.memory_space<vmem_shared>> -> memref<10240x64xf32, #tpu.memory_space<vmem_shared>>
    tpu.wait_indirect_dma semaphore(%arg12 : memref<!tpu.dma_semaphore, #tpu.memory_space<semaphore_mem>>) src(%dma_wait3A_37 : memref<10240x64xf32, #tpu.memory_space<vmem_shared>>) dst(%dma_wait3A_31 : memref<80x64xf32, #tpu.memory_space<vmem>>)
    %scan3A_38 = arith.constant 1 : i32
    %scan3A_39 = arith.constant 0 : i32
    %scan3A_40 = arith.constant 0 : i32
    %add3A_41 = arith.constant 124 : i32
    %add3A_42 = arith.addi %add3A_41, %scan3A_40 : i32
    %dma_start3A_43 = arith.constant 0 : i32
    %dma_start3A_44 = arith.constant 0 : i32
    %dma_start3A_45 = tpu.memref_slice %arg8[%scan3A_40, %dma_start3A_43, %dma_start3A_44] : memref<1x80x64xf32, #tpu.memory_space<vmem>> -> memref<1x80x64xf32, #tpu.memory_space<vmem>>
    %dma_start3A_46 = tpu.memref_squeeze %dma_start3A_45 : memref<1x80x64xf32, #tpu.memory_space<vmem>> -> memref<80x64xf32, #tpu.memory_space<vmem>>
    %dma_start3A_47 = arith.constant 0 : i32
    %dma_start3A_48 = tpu.memref_slice %arg7[%add3A_42, %dma_start3A_47] : memref<125x80xi32, #tpu.memory_space<vmem>> -> memref<1x80xi32, #tpu.memory_space<vmem>>
    %dma_start3A_49 = tpu.memref_squeeze %dma_start3A_48 : memref<1x80xi32, #tpu.memory_space<vmem>> -> memref<80xi32, #tpu.memory_space<vmem>>
    %dma_start3A_50 = arith.constant 0 : i32
    %dma_start3A_51 = arith.constant 0 : i32
    %dma_start3A_52 = tpu.memref_slice %arg11[%dma_start3A_50, %dma_start3A_51] : memref<10240x64xf32, #tpu.memory_space<vmem_shared>> -> memref<10240x64xf32, #tpu.memory_space<vmem_shared>>
    tpu.enqueue_indirect_dma source(%dma_start3A_46 : memref<80x64xf32, #tpu.memory_space<vmem>>) target(%dma_start3A_52 : memref<10240x64xf32, #tpu.memory_space<vmem_shared>>) offsets(%dma_start3A_49 : memref<80xi32, #tpu.memory_space<vmem>>) semaphore(%arg14 : memref<!tpu.dma_semaphore, #tpu.memory_space<semaphore_mem>>) {add = true}
    %scan3A_53 = arith.constant 1 : i32
    %scan3A_54 = arith.constant 0 : i32
    %scan3A_55 = arith.constant 0 : i32
    %add3A_56 = arith.constant 123 : i32
    %add3A_57 = arith.addi %add3A_56, %scan3A_55 : i32
    %dma_wait3A_58 = arith.constant 0 : i32
    %dma_wait3A_59 = arith.constant 0 : i32
    %dma_wait3A_60 = tpu.memref_slice %arg9[%scan3A_55, %dma_wait3A_58, %dma_wait3A_59] : memref<1x80x64xf32, #tpu.memory_space<vmem>> -> memref<1x80x64xf32, #tpu.memory_space<vmem>>
    %dma_wait3A_61 = tpu.memref_squeeze %dma_wait3A_60 : memref<1x80x64xf32, #tpu.memory_space<vmem>> -> memref<80x64xf32, #tpu.memory_space<vmem>>
    %dma_wait3A_62 = arith.constant 0 : i32
    %dma_wait3A_63 = tpu.memref_slice %arg7[%add3A_57, %dma_wait3A_62] : memref<125x80xi32, #tpu.memory_space<vmem>> -> memref<1x80xi32, #tpu.memory_space<vmem>>
    %dma_wait3A_64 = tpu.memref_squeeze %dma_wait3A_63 : memref<1x80xi32, #tpu.memory_space<vmem>> -> memref<80xi32, #tpu.memory_space<vmem>>
    %dma_wait3A_65 = arith.constant 0 : i32
    %dma_wait3A_66 = arith.constant 0 : i32
    %dma_wait3A_67 = tpu.memref_slice %arg11[%dma_wait3A_65, %dma_wait3A_66] : memref<10240x64xf32, #tpu.memory_space<vmem_shared>> -> memref<10240x64xf32, #tpu.memory_space<vmem_shared>>
    tpu.wait_indirect_dma semaphore(%arg15 : memref<!tpu.dma_semaphore, #tpu.memory_space<semaphore_mem>>) src(%dma_wait3A_61 : memref<80x64xf32, #tpu.memory_space<vmem>>) dst(%dma_wait3A_67 : memref<10240x64xf32, #tpu.memory_space<vmem_shared>>)
    %scan3A_68 = arith.constant 1 : i32
    %scan3A_69 = arith.constant 0 : i32
    %scan3A_70 = arith.constant 0 : i32
    %add3A_71 = arith.constant 124 : i32
    %add3A_72 = arith.addi %add3A_71, %scan3A_70 : i32
    %dma_wait3A_73 = arith.constant 0 : i32
    %dma_wait3A_74 = arith.constant 0 : i32
    %dma_wait3A_75 = tpu.memref_slice %arg8[%scan3A_70, %dma_wait3A_73, %dma_wait3A_74] : memref<1x80x64xf32, #tpu.memory_space<vmem>> -> memref<1x80x64xf32, #tpu.memory_space<vmem>>
    %dma_wait3A_76 = tpu.memref_squeeze %dma_wait3A_75 : memref<1x80x64xf32, #tpu.memory_space<vmem>> -> memref<80x64xf32, #tpu.memory_space<vmem>>
    %dma_wait3A_77 = arith.constant 0 : i32
    %dma_wait3A_78 = tpu.memref_slice %arg7[%add3A_72, %dma_wait3A_77] : memref<125x80xi32, #tpu.memory_space<vmem>> -> memref<1x80xi32, #tpu.memory_space<vmem>>
    %dma_wait3A_79 = tpu.memref_squeeze %dma_wait3A_78 : memref<1x80xi32, #tpu.memory_space<vmem>> -> memref<80xi32, #tpu.memory_space<vmem>>
    %dma_wait3A_80 = arith.constant 0 : i32
    %dma_wait3A_81 = arith.constant 0 : i32
    %dma_wait3A_82 = tpu.memref_slice %arg11[%dma_wait3A_80, %dma_wait3A_81] : memref<10240x64xf32, #tpu.memory_space<vmem_shared>> -> memref<10240x64xf32, #tpu.memory_space<vmem_shared>>
    tpu.wait_indirect_dma semaphore(%arg14 : memref<!tpu.dma_semaphore, #tpu.memory_space<semaphore_mem>>) src(%dma_wait3A_76 : memref<80x64xf32, #tpu.memory_space<vmem>>) dst(%dma_wait3A_82 : memref<10240x64xf32, #tpu.memory_space<vmem_shared>>)
    %scan3A_83 = arith.constant 1 : i32
    %barrier3A_84 = arith.constant 0 : index
    tpu.barrier barrier_id(%barrier3A_84)
    "tpu.region"() ({
      %run_scoped3A_85 = tpu.sem_alloc : memref<!tpu.dma_semaphore, #tpu.memory_space<semaphore_mem>>
      %dma_start3A_86 = arith.constant 0 : i32
      %dma_start3A_87 = tpu.memref_slice %arg5[%arg0, %mul3A_0, %dma_start3A_86] : memref<2x10240x64xf32, #tpu.memory_space<hbm>> -> memref<1x640x64xf32, #tpu.memory_space<hbm>>
      %dma_start3A_88 = tpu.memref_squeeze %dma_start3A_87 : memref<1x640x64xf32, #tpu.memory_space<hbm>> -> memref<640x64xf32, #tpu.memory_space<hbm>>
      %dma_start3A_89 = arith.constant 0 : i32
      %dma_start3A_90 = tpu.memref_slice %arg11[%mul3A_0, %dma_start3A_89] : memref<10240x64xf32, #tpu.memory_space<vmem_shared>> -> memref<640x64xf32, #tpu.memory_space<vmem_shared>>
      tpu.enqueue_dma source(%dma_start3A_90 : memref<640x64xf32, #tpu.memory_space<vmem_shared>>) target(%dma_start3A_88 : memref<640x64xf32, #tpu.memory_space<hbm>>) target_semaphore(%run_scoped3A_85 : memref<!tpu.dma_semaphore, #tpu.memory_space<semaphore_mem>>)
      %dma_wait3A_91 = arith.constant 0 : i32
      %dma_wait3A_92 = tpu.memref_slice %arg5[%arg0, %mul3A_0, %dma_wait3A_91] : memref<2x10240x64xf32, #tpu.memory_space<hbm>> -> memref<1x640x64xf32, #tpu.memory_space<hbm>>
      %dma_wait3A_93 = tpu.memref_squeeze %dma_wait3A_92 : memref<1x640x64xf32, #tpu.memory_space<hbm>> -> memref<640x64xf32, #tpu.memory_space<hbm>>
      %dma_wait3A_94 = arith.constant 0 : i32
      %dma_wait3A_95 = tpu.memref_slice %arg11[%mul3A_0, %dma_wait3A_94] : memref<10240x64xf32, #tpu.memory_space<vmem_shared>> -> memref<640x64xf32, #tpu.memory_space<vmem_shared>>
      tpu.wait_dma2 semaphore(%run_scoped3A_85 : memref<!tpu.dma_semaphore, #tpu.memory_space<semaphore_mem>>) src(%dma_wait3A_95 : memref<640x64xf32, #tpu.memory_space<vmem_shared>>) dst(%dma_wait3A_93 : memref<640x64xf32, #tpu.memory_space<hbm>>)
      tpu.yield
    }) : () -> ()
    return
  }
}

module attributes {stable_mosaic.version = 14 : i64} {
  func.func @_mlp_body(%arg0: i32, %arg1: memref<2000x128xf32, #tpu.memory_space<vmem>>, %arg2: memref<128x64xf32, #tpu.memory_space<vmem>>, %arg3: memref<1x64xf32, #tpu.memory_space<vmem>>, %arg4: memref<64x64xf32, #tpu.memory_space<vmem>>, %arg5: memref<1x64xf32, #tpu.memory_space<vmem>>, %arg6: memref<2000x64xf32, #tpu.memory_space<vmem>>) attributes {dimension_semantics = [#tpu.dimension_semantics<arbitrary>], iteration_bounds = array<i64: 5>, scalar_prefetch = 0 : i64, scratch_operands = 0 : i64, tpu.core_type = #tpu.core_type<tc>, window_params = [{transform_indices = @transform_0, window_bounds = array<i64: 2000, 128>}, {pipeline_mode = #tpu.pipeline_mode<synchronous>, transform_indices = @transform_1, window_bounds = array<i64: 128, 64>}, {pipeline_mode = #tpu.pipeline_mode<synchronous>, transform_indices = @transform_2, window_bounds = array<i64: 1, 64>}, {pipeline_mode = #tpu.pipeline_mode<synchronous>, transform_indices = @transform_3, window_bounds = array<i64: 64, 64>}, {pipeline_mode = #tpu.pipeline_mode<synchronous>, transform_indices = @transform_4, window_bounds = array<i64: 1, 64>}, {transform_indices = @transform_5, window_bounds = array<i64: 2000, 64>}]} {
    %get3A = arith.constant 0 : index
    %get3A_0 = arith.constant 0 : index
    %get3A_1 = vector.load %arg1[%get3A, %get3A_0] : memref<2000x128xf32, #tpu.memory_space<vmem>>, vector<2000x128xf32>
    %get3A_2 = arith.constant 0 : index
    %get3A_3 = arith.constant 0 : index
    %get3A_4 = vector.load %arg2[%get3A_2, %get3A_3] : memref<128x64xf32, #tpu.memory_space<vmem>>, vector<128x64xf32>
    %dot_general3A = arith.constant dense<0.000000e+00> : vector<2000x64xf32>
    %dot_general3A_5 = tpu.matmul %get3A_1, %get3A_4, %dot_general3A {dimension_numbers = #tpu.dot_dimension_numbers<[1], [0], [0], [1], [0, 0, 1, 1], [], []>, transpose_lhs_hint = false} : vector<2000x128xf32>, vector<128x64xf32>, vector<2000x64xf32> -> vector<2000x64xf32>
    %get3A_6 = arith.constant 0 : index
    %get3A_7 = arith.constant 0 : index
    %get3A_8 = vector.load %arg3[%get3A_6, %get3A_7] : memref<1x64xf32, #tpu.memory_space<vmem>>, vector<1x64xf32>
    %add3A = vector.broadcast %get3A_8 : vector<1x64xf32> to vector<2000x64xf32>
    %add3A_9 = arith.addf %dot_general3A_5, %add3A : vector<2000x64xf32>
    %max3A = arith.constant 0.000000e+00 : f32
    %max3A_10 = vector.broadcast %max3A : f32 to vector<2000x64xf32>
    %max3A_11 = arith.maximumf %add3A_9, %max3A_10 : vector<2000x64xf32>
    %get3A_12 = arith.constant 0 : index
    %get3A_13 = arith.constant 0 : index
    %get3A_14 = vector.load %arg4[%get3A_12, %get3A_13] : memref<64x64xf32, #tpu.memory_space<vmem>>, vector<64x64xf32>
    %dot_general3A_15 = arith.constant dense<0.000000e+00> : vector<2000x64xf32>
    %dot_general3A_16 = tpu.matmul %max3A_11, %get3A_14, %dot_general3A_15 {dimension_numbers = #tpu.dot_dimension_numbers<[1], [0], [0], [1], [0, 0, 1, 1], [], []>, transpose_lhs_hint = false} : vector<2000x64xf32>, vector<64x64xf32>, vector<2000x64xf32> -> vector<2000x64xf32>
    %get3A_17 = arith.constant 0 : index
    %get3A_18 = arith.constant 0 : index
    %get3A_19 = vector.load %arg5[%get3A_17, %get3A_18] : memref<1x64xf32, #tpu.memory_space<vmem>>, vector<1x64xf32>
    %add3A_20 = vector.broadcast %get3A_19 : vector<1x64xf32> to vector<2000x64xf32>
    %add3A_21 = arith.addf %dot_general3A_16, %add3A_20 : vector<2000x64xf32>
    %max3A_22 = arith.constant 0.000000e+00 : f32
    %max3A_23 = vector.broadcast %max3A_22 : f32 to vector<2000x64xf32>
    %max3A_24 = arith.maximumf %add3A_21, %max3A_23 : vector<2000x64xf32>
    %swap3A = arith.constant 0 : index
    %swap3A_25 = arith.constant 0 : index
    %swap3A_26 = vector.load %arg6[%swap3A, %swap3A_25] : memref<2000x64xf32, #tpu.memory_space<vmem>>, vector<2000x64xf32>
    tpu.vector_store %arg6[%swap3A, %swap3A_25], %max3A_24 {strides = array<i32>} : memref<2000x64xf32, #tpu.memory_space<vmem>>, vector<2000x64xf32>,
    return
  }
  func.func @transform_0(%arg0: i32) -> (i32, i32) {
    %c0_i32 = arith.constant 0 : i32
    %c0_i32_0 = arith.constant 0 : i32
    return %arg0, %c0_i32 : i32, i32
  }
  func.func @transform_1(%arg0: i32) -> (i32, i32) {
    %c0_i32 = arith.constant 0 : i32
    %c0_i32_0 = arith.constant 0 : i32
    %c0_i32_1 = arith.constant 0 : i32
    return %c0_i32, %c0_i32_0 : i32, i32
  }
  func.func @transform_2(%arg0: i32) -> (i32, i32) {
    %c0_i32 = arith.constant 0 : i32
    %c0_i32_0 = arith.constant 0 : i32
    %c0_i32_1 = arith.constant 0 : i32
    return %c0_i32, %c0_i32_0 : i32, i32
  }
  func.func @transform_3(%arg0: i32) -> (i32, i32) {
    %c0_i32 = arith.constant 0 : i32
    %c0_i32_0 = arith.constant 0 : i32
    %c0_i32_1 = arith.constant 0 : i32
    return %c0_i32, %c0_i32_0 : i32, i32
  }
  func.func @transform_4(%arg0: i32) -> (i32, i32) {
    %c0_i32 = arith.constant 0 : i32
    %c0_i32_0 = arith.constant 0 : i32
    %c0_i32_1 = arith.constant 0 : i32
    return %c0_i32, %c0_i32_0 : i32, i32
  }
  func.func @transform_5(%arg0: i32) -> (i32, i32) {
    %c0_i32 = arith.constant 0 : i32
    %c0_i32_0 = arith.constant 0 : i32
    return %arg0, %c0_i32 : i32, i32
  }
}

module attributes {stable_mosaic.version = 14 : i64} {
  func.func @_scale_body(%arg0: i32, %arg1: memref<2x2000x8xf32, #tpu.memory_space<vmem>>, %arg2: memref<2000x64xf32, #tpu.memory_space<vmem>>, %arg3: memref<2000x64xf32, #tpu.memory_space<vmem>>, %arg4: memref<2000x8xf32, #tpu.memory_space<vmem>>) attributes {dimension_semantics = [#tpu.dimension_semantics<arbitrary>], iteration_bounds = array<i64: 5>, scalar_prefetch = 0 : i64, scratch_operands = 0 : i64, tpu.core_type = #tpu.core_type<tc>, window_params = [{transform_indices = @transform_0, window_bounds = array<i64: 2, 2000, 8>}, {transform_indices = @transform_1, window_bounds = array<i64: 2000, 64>}, {transform_indices = @transform_2, window_bounds = array<i64: 2000, 64>}, {transform_indices = @transform_3, window_bounds = array<i64: 2000, 8>}]} {
    %get3A = arith.constant 0 : index
    %get3A_0 = arith.constant 0 : index
    %get3A_1 = arith.constant 0 : index
    %get3A_2 = vector.load %arg1[%get3A, %get3A_0, %get3A_1] : memref<2x2000x8xf32, #tpu.memory_space<vmem>>, vector<1x2000x8xf32>
    %get3A_3 = vector.shape_cast %get3A_2 : vector<1x2000x8xf32> to vector<2000x8xf32>
    %get3A_4 = arith.constant 1 : index
    %get3A_5 = arith.constant 0 : index
    %get3A_6 = arith.constant 0 : index
    %get3A_7 = vector.load %arg1[%get3A_4, %get3A_5, %get3A_6] : memref<2x2000x8xf32, #tpu.memory_space<vmem>>, vector<1x2000x8xf32>
    %get3A_8 = vector.shape_cast %get3A_7 : vector<1x2000x8xf32> to vector<2000x8xf32>
    %add3A = arith.addf %get3A_3, %get3A_8 : vector<2000x8xf32>
    %max3A = arith.constant 1.000000e+00 : f32
    %max3A_9 = vector.broadcast %max3A : f32 to vector<2000x8xf32>
    %max3A_10 = arith.maximumf %add3A, %max3A_9 : vector<2000x8xf32>
    %rsqrt3A = math.rsqrt %max3A_10 : vector<2000x8xf32>
    %swap3A = arith.constant 0 : index
    %swap3A_11 = arith.constant 0 : index
    %swap3A_12 = vector.load %arg4[%swap3A, %swap3A_11] : memref<2000x8xf32, #tpu.memory_space<vmem>>, vector<2000x8xf32>
    tpu.vector_store %arg4[%swap3A, %swap3A_11], %rsqrt3A {strides = array<i32>} : memref<2000x8xf32, #tpu.memory_space<vmem>>, vector<2000x8xf32>,
    %get3A_13 = arith.constant 0 : index
    %get3A_14 = arith.constant 0 : index
    %get3A_15 = vector.load %arg2[%get3A_13, %get3A_14] : memref<2000x64xf32, #tpu.memory_space<vmem>>, vector<2000x64xf32>
    %slice3A = vector.extract_strided_slice %rsqrt3A {offsets = [0, 0], sizes = [2000, 1], strides = [1, 1]} : vector<2000x8xf32> to vector<2000x1xf32>
    %mul3A = vector.broadcast %slice3A : vector<2000x1xf32> to vector<2000x64xf32>
    %mul3A_16 = arith.mulf %get3A_15, %mul3A : vector<2000x64xf32>
    %swap3A_17 = arith.constant 0 : index
    %swap3A_18 = arith.constant 0 : index
    %swap3A_19 = vector.load %arg3[%swap3A_17, %swap3A_18] : memref<2000x64xf32, #tpu.memory_space<vmem>>, vector<2000x64xf32>
    tpu.vector_store %arg3[%swap3A_17, %swap3A_18], %mul3A_16 {strides = array<i32>} : memref<2000x64xf32, #tpu.memory_space<vmem>>, vector<2000x64xf32>,
    return
  }
  func.func @transform_0(%arg0: i32) -> (i32, i32, i32) {
    %c0_i32 = arith.constant 0 : i32
    %c0_i32_0 = arith.constant 0 : i32
    %c0_i32_1 = arith.constant 0 : i32
    return %c0_i32, %arg0, %c0_i32_0 : i32, i32, i32
  }
  func.func @transform_1(%arg0: i32) -> (i32, i32) {
    %c0_i32 = arith.constant 0 : i32
    %c0_i32_0 = arith.constant 0 : i32
    return %arg0, %c0_i32 : i32, i32
  }
  func.func @transform_2(%arg0: i32) -> (i32, i32) {
    %c0_i32 = arith.constant 0 : i32
    %c0_i32_0 = arith.constant 0 : i32
    return %arg0, %c0_i32 : i32, i32
  }
  func.func @transform_3(%arg0: i32) -> (i32, i32) {
    %c0_i32 = arith.constant 0 : i32
    %c0_i32_0 = arith.constant 0 : i32
    return %arg0, %c0_i32 : i32, i32
  }
}

module attributes {stable_mosaic.version = 14 : i64} {
  func.func @_update_body(%arg0: i32, %arg1: memref<2000x64xf32, #tpu.memory_space<vmem>>, %arg2: memref<2000x8xf32, #tpu.memory_space<vmem>>, %arg3: memref<2x2000x64xf32, #tpu.memory_space<vmem>>, %arg4: memref<2000x64xf32, #tpu.memory_space<vmem>>) attributes {dimension_semantics = [#tpu.dimension_semantics<arbitrary>], iteration_bounds = array<i64: 5>, scalar_prefetch = 0 : i64, scratch_operands = 0 : i64, tpu.core_type = #tpu.core_type<tc>, window_params = [{transform_indices = @transform_0, window_bounds = array<i64: 2000, 64>}, {transform_indices = @transform_1, window_bounds = array<i64: 2000, 8>}, {transform_indices = @transform_2, window_bounds = array<i64: 2, 2000, 64>}, {transform_indices = @transform_3, window_bounds = array<i64: 2000, 64>}]} {
    %get3A = arith.constant 0 : index
    %get3A_0 = arith.constant 0 : index
    %get3A_1 = vector.load %arg2[%get3A, %get3A_0] : memref<2000x8xf32, #tpu.memory_space<vmem>>, vector<2000x1xf32>
    %get3A_2 = arith.constant 0 : index
    %get3A_3 = arith.constant 0 : index
    %get3A_4 = vector.load %arg1[%get3A_2, %get3A_3] : memref<2000x64xf32, #tpu.memory_space<vmem>>, vector<2000x64xf32>
    %get3A_5 = arith.constant 0 : index
    %get3A_6 = arith.constant 0 : index
    %get3A_7 = arith.constant 0 : index
    %get3A_8 = vector.load %arg3[%get3A_5, %get3A_6, %get3A_7] : memref<2x2000x64xf32, #tpu.memory_space<vmem>>, vector<1x2000x64xf32>
    %get3A_9 = vector.shape_cast %get3A_8 : vector<1x2000x64xf32> to vector<2000x64xf32>
    %get3A_10 = arith.constant 1 : index
    %get3A_11 = arith.constant 0 : index
    %get3A_12 = arith.constant 0 : index
    %get3A_13 = vector.load %arg3[%get3A_10, %get3A_11, %get3A_12] : memref<2x2000x64xf32, #tpu.memory_space<vmem>>, vector<1x2000x64xf32>
    %get3A_14 = vector.shape_cast %get3A_13 : vector<1x2000x64xf32> to vector<2000x64xf32>
    %add3A = arith.addf %get3A_9, %get3A_14 : vector<2000x64xf32>
    %mul3A = vector.broadcast %get3A_1 : vector<2000x1xf32> to vector<2000x64xf32>
    %mul3A_15 = arith.mulf %mul3A, %add3A : vector<2000x64xf32>
    %sub3A = arith.subf %get3A_4, %mul3A_15 : vector<2000x64xf32>
    %mul3A_16 = vector.broadcast %get3A_1 : vector<2000x1xf32> to vector<2000x64xf32>
    %mul3A_17 = arith.mulf %sub3A, %mul3A_16 : vector<2000x64xf32>
    %swap3A = arith.constant 0 : index
    %swap3A_18 = arith.constant 0 : index
    %swap3A_19 = vector.load %arg4[%swap3A, %swap3A_18] : memref<2000x64xf32, #tpu.memory_space<vmem>>, vector<2000x64xf32>
    tpu.vector_store %arg4[%swap3A, %swap3A_18], %mul3A_17 {strides = array<i32>} : memref<2000x64xf32, #tpu.memory_space<vmem>>, vector<2000x64xf32>,
    return
  }
  func.func @transform_0(%arg0: i32) -> (i32, i32) {
    %c0_i32 = arith.constant 0 : i32
    %c0_i32_0 = arith.constant 0 : i32
    return %arg0, %c0_i32 : i32, i32
  }
  func.func @transform_1(%arg0: i32) -> (i32, i32) {
    %c0_i32 = arith.constant 0 : i32
    %c0_i32_0 = arith.constant 0 : i32
    return %arg0, %c0_i32 : i32, i32
  }
  func.func @transform_2(%arg0: i32) -> (i32, i32, i32) {
    %c0_i32 = arith.constant 0 : i32
    %c0_i32_0 = arith.constant 0 : i32
    %c0_i32_1 = arith.constant 0 : i32
    return %c0_i32, %arg0, %c0_i32_0 : i32, i32, i32
  }
  func.func @transform_3(%arg0: i32) -> (i32, i32) {
    %c0_i32 = arith.constant 0 : i32
    %c0_i32_0 = arith.constant 0 : i32
    return %arg0, %c0_i32 : i32, i32
  }
}

module attributes {stable_mosaic.version = 14 : i64} {
  func.func @_final_body(%arg0: i32, %arg1: memref<2000x64xf32, #tpu.memory_space<vmem>>, %arg2: memref<2000x8xf32, #tpu.memory_space<vmem>>, %arg3: memref<2x2000x64xf32, #tpu.memory_space<vmem>>, %arg4: memref<2x2000x64xf32, #tpu.memory_space<vmem>>, %arg5: memref<192x64xf32, #tpu.memory_space<vmem>>, %arg6: memref<1x64xf32, #tpu.memory_space<vmem>>, %arg7: memref<64x2xf32, #tpu.memory_space<vmem>>, %arg8: memref<1x2xf32, #tpu.memory_space<vmem>>, %arg9: memref<2000x2xf32, #tpu.memory_space<vmem>>) attributes {dimension_semantics = [#tpu.dimension_semantics<arbitrary>], iteration_bounds = array<i64: 5>, scalar_prefetch = 0 : i64, scratch_operands = 0 : i64, tpu.core_type = #tpu.core_type<tc>, window_params = [{transform_indices = @transform_0, window_bounds = array<i64: 2000, 64>}, {transform_indices = @transform_1, window_bounds = array<i64: 2000, 8>}, {transform_indices = @transform_2, window_bounds = array<i64: 2, 2000, 64>}, {transform_indices = @transform_3, window_bounds = array<i64: 2, 2000, 64>}, {pipeline_mode = #tpu.pipeline_mode<synchronous>, transform_indices = @transform_4, window_bounds = array<i64: 192, 64>}, {pipeline_mode = #tpu.pipeline_mode<synchronous>, transform_indices = @transform_5, window_bounds = array<i64: 1, 64>}, {pipeline_mode = #tpu.pipeline_mode<synchronous>, transform_indices = @transform_6, window_bounds = array<i64: 64, 2>}, {pipeline_mode = #tpu.pipeline_mode<synchronous>, transform_indices = @transform_7, window_bounds = array<i64: 1, 2>}, {transform_indices = @transform_8, window_bounds = array<i64: 2000, 2>}]} {
    %get3A = arith.constant 0 : index
    %get3A_0 = arith.constant 0 : index
    %get3A_1 = vector.load %arg2[%get3A, %get3A_0] : memref<2000x8xf32, #tpu.memory_space<vmem>>, vector<2000x1xf32>
    %get3A_2 = arith.constant 0 : index
    %get3A_3 = arith.constant 0 : index
    %get3A_4 = vector.load %arg1[%get3A_2, %get3A_3] : memref<2000x64xf32, #tpu.memory_space<vmem>>, vector<2000x64xf32>
    %get3A_5 = arith.constant 0 : index
    %get3A_6 = arith.constant 0 : index
    %get3A_7 = arith.constant 0 : index
    %get3A_8 = vector.load %arg3[%get3A_5, %get3A_6, %get3A_7] : memref<2x2000x64xf32, #tpu.memory_space<vmem>>, vector<1x2000x64xf32>
    %get3A_9 = vector.shape_cast %get3A_8 : vector<1x2000x64xf32> to vector<2000x64xf32>
    %get3A_10 = arith.constant 1 : index
    %get3A_11 = arith.constant 0 : index
    %get3A_12 = arith.constant 0 : index
    %get3A_13 = vector.load %arg3[%get3A_10, %get3A_11, %get3A_12] : memref<2x2000x64xf32, #tpu.memory_space<vmem>>, vector<1x2000x64xf32>
    %get3A_14 = vector.shape_cast %get3A_13 : vector<1x2000x64xf32> to vector<2000x64xf32>
    %add3A = arith.addf %get3A_9, %get3A_14 : vector<2000x64xf32>
    %mul3A = vector.broadcast %get3A_1 : vector<2000x1xf32> to vector<2000x64xf32>
    %mul3A_15 = arith.mulf %mul3A, %add3A : vector<2000x64xf32>
    %get3A_16 = arith.constant 0 : index
    %get3A_17 = arith.constant 0 : index
    %get3A_18 = arith.constant 0 : index
    %get3A_19 = vector.load %arg4[%get3A_16, %get3A_17, %get3A_18] : memref<2x2000x64xf32, #tpu.memory_space<vmem>>, vector<1x2000x64xf32>
    %get3A_20 = vector.shape_cast %get3A_19 : vector<1x2000x64xf32> to vector<2000x64xf32>
    %get3A_21 = arith.constant 1 : index
    %get3A_22 = arith.constant 0 : index
    %get3A_23 = arith.constant 0 : index
    %get3A_24 = vector.load %arg4[%get3A_21, %get3A_22, %get3A_23] : memref<2x2000x64xf32, #tpu.memory_space<vmem>>, vector<1x2000x64xf32>
    %get3A_25 = vector.shape_cast %get3A_24 : vector<1x2000x64xf32> to vector<2000x64xf32>
    %add3A_26 = arith.addf %get3A_20, %get3A_25 : vector<2000x64xf32>
    %mul3A_27 = vector.broadcast %get3A_1 : vector<2000x1xf32> to vector<2000x64xf32>
    %mul3A_28 = arith.mulf %mul3A_27, %add3A_26 : vector<2000x64xf32>
    %mul3A_29 = arith.constant 7.500000e-01 : f32
    %mul3A_30 = vector.broadcast %mul3A_29 : f32 to vector<2000x64xf32>
    %mul3A_31 = arith.mulf %mul3A_30, %get3A_4 : vector<2000x64xf32>
    %mul3A_32 = arith.constant 2.250000e+00 : f32
    %mul3A_33 = vector.broadcast %mul3A_32 : f32 to vector<2000x64xf32>
    %mul3A_34 = arith.mulf %mul3A_33, %mul3A_15 : vector<2000x64xf32>
    %add3A_35 = arith.addf %mul3A_31, %mul3A_34 : vector<2000x64xf32>
    %mul3A_36 = arith.constant 7.500000e-01 : f32
    %mul3A_37 = vector.broadcast %mul3A_36 : f32 to vector<2000x64xf32>
    %mul3A_38 = arith.mulf %mul3A_37, %mul3A_28 : vector<2000x64xf32>
    %sub3A = arith.subf %add3A_35, %mul3A_38 : vector<2000x64xf32>
    %mul3A_39 = arith.constant 1.500000e+00 : f32
    %mul3A_40 = vector.broadcast %mul3A_39 : f32 to vector<2000x64xf32>
    %mul3A_41 = arith.mulf %mul3A_40, %get3A_4 : vector<2000x64xf32>
    %mul3A_42 = arith.constant 1.500000e+00 : f32
    %mul3A_43 = vector.broadcast %mul3A_42 : f32 to vector<2000x64xf32>
    %mul3A_44 = arith.mulf %mul3A_43, %mul3A_15 : vector<2000x64xf32>
    %sub3A_45 = arith.subf %mul3A_41, %mul3A_44 : vector<2000x64xf32>
    %mul3A_46 = arith.constant 1.500000e+00 : f32
    %mul3A_47 = vector.broadcast %mul3A_46 : f32 to vector<2000x64xf32>
    %mul3A_48 = arith.mulf %mul3A_47, %mul3A_28 : vector<2000x64xf32>
    %add3A_49 = arith.addf %sub3A_45, %mul3A_48 : vector<2000x64xf32>
    %mul3A_50 = arith.constant 7.500000e-01 : f32
    %mul3A_51 = vector.broadcast %mul3A_50 : f32 to vector<2000x64xf32>
    %mul3A_52 = arith.mulf %mul3A_51, %get3A_4 : vector<2000x64xf32>
    %mul3A_53 = arith.constant 7.500000e-01 : f32
    %mul3A_54 = vector.broadcast %mul3A_53 : f32 to vector<2000x64xf32>
    %mul3A_55 = arith.mulf %mul3A_54, %mul3A_15 : vector<2000x64xf32>
    %sub3A_56 = arith.subf %mul3A_52, %mul3A_55 : vector<2000x64xf32>
    %mul3A_57 = arith.constant 7.500000e-01 : f32
    %mul3A_58 = vector.broadcast %mul3A_57 : f32 to vector<2000x64xf32>
    %mul3A_59 = arith.mulf %mul3A_58, %mul3A_28 : vector<2000x64xf32>
    %sub3A_60 = arith.subf %sub3A_56, %mul3A_59 : vector<2000x64xf32>
    %get3A_61 = arith.constant 0 : index
    %get3A_62 = arith.constant 0 : index
    %get3A_63 = vector.load %arg5[%get3A_61, %get3A_62] : memref<192x64xf32, #tpu.memory_space<vmem>>, vector<64x64xf32>
    %dot_general3A = arith.constant dense<0.000000e+00> : vector<2000x64xf32>
    %dot_general3A_64 = tpu.matmul %sub3A, %get3A_63, %dot_general3A {dimension_numbers = #tpu.dot_dimension_numbers<[1], [0], [0], [1], [0, 0, 1, 1], [], []>, transpose_lhs_hint = false} : vector<2000x64xf32>, vector<64x64xf32>, vector<2000x64xf32> -> vector<2000x64xf32>
    %get3A_65 = arith.constant 64 : index
    %get3A_66 = arith.constant 0 : index
    %get3A_67 = vector.load %arg5[%get3A_65, %get3A_66] : memref<192x64xf32, #tpu.memory_space<vmem>>, vector<64x64xf32>
    %dot_general3A_68 = arith.constant dense<0.000000e+00> : vector<2000x64xf32>
    %dot_general3A_69 = tpu.matmul %add3A_49, %get3A_67, %dot_general3A_68 {dimension_numbers = #tpu.dot_dimension_numbers<[1], [0], [0], [1], [0, 0, 1, 1], [], []>, transpose_lhs_hint = false} : vector<2000x64xf32>, vector<64x64xf32>, vector<2000x64xf32> -> vector<2000x64xf32>
    %add3A_70 = arith.addf %dot_general3A_64, %dot_general3A_69 : vector<2000x64xf32>
    %get3A_71 = arith.constant 128 : index
    %get3A_72 = arith.constant 0 : index
    %get3A_73 = vector.load %arg5[%get3A_71, %get3A_72] : memref<192x64xf32, #tpu.memory_space<vmem>>, vector<64x64xf32>
    %dot_general3A_74 = arith.constant dense<0.000000e+00> : vector<2000x64xf32>
    %dot_general3A_75 = tpu.matmul %sub3A_60, %get3A_73, %dot_general3A_74 {dimension_numbers = #tpu.dot_dimension_numbers<[1], [0], [0], [1], [0, 0, 1, 1], [], []>, transpose_lhs_hint = false} : vector<2000x64xf32>, vector<64x64xf32>, vector<2000x64xf32> -> vector<2000x64xf32>
    %add3A_76 = arith.addf %add3A_70, %dot_general3A_75 : vector<2000x64xf32>
    %get3A_77 = arith.constant 0 : index
    %get3A_78 = arith.constant 0 : index
    %get3A_79 = vector.load %arg6[%get3A_77, %get3A_78] : memref<1x64xf32, #tpu.memory_space<vmem>>, vector<1x64xf32>
    %add3A_80 = vector.broadcast %get3A_79 : vector<1x64xf32> to vector<2000x64xf32>
    %add3A_81 = arith.addf %add3A_76, %add3A_80 : vector<2000x64xf32>
    %max3A = arith.constant 0.000000e+00 : f32
    %max3A_82 = vector.broadcast %max3A : f32 to vector<2000x64xf32>
    %max3A_83 = arith.maximumf %add3A_81, %max3A_82 : vector<2000x64xf32>
    %get3A_84 = arith.constant 0 : index
    %get3A_85 = arith.constant 0 : index
    %get3A_86 = vector.load %arg7[%get3A_84, %get3A_85] : memref<64x2xf32, #tpu.memory_space<vmem>>, vector<64x2xf32>
    %dot_general3A_87 = arith.constant dense<0.000000e+00> : vector<2000x2xf32>
    %dot_general3A_88 = tpu.matmul %max3A_83, %get3A_86, %dot_general3A_87 {dimension_numbers = #tpu.dot_dimension_numbers<[1], [0], [0], [1], [0, 0, 1, 1], [], []>, transpose_lhs_hint = false} : vector<2000x64xf32>, vector<64x2xf32>, vector<2000x2xf32> -> vector<2000x2xf32>
    %get3A_89 = arith.constant 0 : index
    %get3A_90 = arith.constant 0 : index
    %get3A_91 = vector.load %arg8[%get3A_89, %get3A_90] : memref<1x2xf32, #tpu.memory_space<vmem>>, vector<1x2xf32>
    %add3A_92 = vector.broadcast %get3A_91 : vector<1x2xf32> to vector<2000x2xf32>
    %add3A_93 = arith.addf %dot_general3A_88, %add3A_92 : vector<2000x2xf32>
    %swap3A = arith.constant 0 : index
    %swap3A_94 = arith.constant 0 : index
    %swap3A_95 = vector.load %arg9[%swap3A, %swap3A_94] : memref<2000x2xf32, #tpu.memory_space<vmem>>, vector<2000x2xf32>
    tpu.vector_store %arg9[%swap3A, %swap3A_94], %add3A_93 {strides = array<i32>} : memref<2000x2xf32, #tpu.memory_space<vmem>>, vector<2000x2xf32>,
    return
  }
  func.func @transform_0(%arg0: i32) -> (i32, i32) {
    %c0_i32 = arith.constant 0 : i32
    %c0_i32_0 = arith.constant 0 : i32
    return %arg0, %c0_i32 : i32, i32
  }
  func.func @transform_1(%arg0: i32) -> (i32, i32) {
    %c0_i32 = arith.constant 0 : i32
    %c0_i32_0 = arith.constant 0 : i32
    return %arg0, %c0_i32 : i32, i32
  }
  func.func @transform_2(%arg0: i32) -> (i32, i32, i32) {
    %c0_i32 = arith.constant 0 : i32
    %c0_i32_0 = arith.constant 0 : i32
    %c0_i32_1 = arith.constant 0 : i32
    return %c0_i32, %arg0, %c0_i32_0 : i32, i32, i32
  }
  func.func @transform_3(%arg0: i32) -> (i32, i32, i32) {
    %c0_i32 = arith.constant 0 : i32
    %c0_i32_0 = arith.constant 0 : i32
    %c0_i32_1 = arith.constant 0 : i32
    return %c0_i32, %arg0, %c0_i32_0 : i32, i32, i32
  }
  func.func @transform_4(%arg0: i32) -> (i32, i32) {
    %c0_i32 = arith.constant 0 : i32
    %c0_i32_0 = arith.constant 0 : i32
    %c0_i32_1 = arith.constant 0 : i32
    return %c0_i32, %c0_i32_0 : i32, i32
  }
  func.func @transform_5(%arg0: i32) -> (i32, i32) {
    %c0_i32 = arith.constant 0 : i32
    %c0_i32_0 = arith.constant 0 : i32
    %c0_i32_1 = arith.constant 0 : i32
    return %c0_i32, %c0_i32_0 : i32, i32
  }
  func.func @transform_6(%arg0: i32) -> (i32, i32) {
    %c0_i32 = arith.constant 0 : i32
    %c0_i32_0 = arith.constant 0 : i32
    %c0_i32_1 = arith.constant 0 : i32
    return %c0_i32, %c0_i32_0 : i32, i32
  }
  func.func @transform_7(%arg0: i32) -> (i32, i32) {
    %c0_i32 = arith.constant 0 : i32
    %c0_i32_0 = arith.constant 0 : i32
    %c0_i32_1 = arith.constant 0 : i32
    return %c0_i32, %c0_i32_0 : i32, i32
  }
  func.func @transform_8(%arg0: i32) -> (i32, i32) {
    %c0_i32 = arith.constant 0 : i32
    %c0_i32_0 = arith.constant 0 : i32
    return %arg0, %c0_i32 : i32, i32
  }
}

</mosaic_0001>

<sc_bundles>
// kernel: kernel.12.cloned.1.call-start
scs
__scs_entry_jumppad:
0x0: {  	(pc) =	sbr.rel $0x88, $3  }
0x1: {  	(tag) =	ssettag $0x0;
	lr =	simm.s32 $0x1  }
0x2: {  	[smem:$0x3F97] =	sst lr;
	_ =	strace $0xD0000000  }
0x3: {  	_ = 	snop  }
0x4: {  	_ = 	snop  }
0x5: {  	_ = 	snop  }
0x6: {  	_ = 	snop  }
0x7: {  	_ = 	snop  }
__scs_overlays_trampoline_lowered:
0x8: {  	[smem:$0x3FA6] =	sst s0  }
0x9: {  	[smem:$0x3FA7] =	sst s1  }
0xa: {  	[smem:$0x3FA8] =	sst s2  }
0xb: {  	[smem:$0x3FA9] =	sst s3  }
0xc: {  	[smem:$0x3FAA] =	sst s4  }
0xd: {  	[smem:$0x3FAB] =	sst s5  }
0xe: {  	[smem:$0x3FAC] =	sst s6  }
0xf: {  	[smem:$0x3FAD] =	sst s7  }
0x10: {  	[smem:$0x3FAE] =	sst s8  }
0x11: {  	[smem:$0x3FAF] =	sst s9;
	s0 =	simm.s32 @!p0 $0x0  }
0x12: {  	s1 =	sld [smem:$0x3F95];
	s0 =	simm.s32 @p0 $0x1  }
0x13: {  	[smem:$0x3FB0] =	sst s0;
	s0 =	simm.s32 @!p1 $0x0  }
0x14: {  	s2 =	sld [smem:$0x3F94];
	s0 =	simm.s32 @p1 $0x1  }
0x15: {  	[smem:$0x3FB1] =	sst s0;
	s0 =	simm.s32 @!p2 $0x0  }
0x16: {  	s3 =	sld [smem:$0x3FDB];
	s0 =	simm.s32 @p2 $0x1  }
0x17: {  	s4 =	simm.s32 $0x1BF5;
	[smem:$0x3FB3] =	sst s0  }
0x18: {  	s0 =	sld [smem:$0x3F96];
	_ =	swait.ge [sflag:s4], $0x0  }
0x19: {  	s7 =	sld [smem:$0x3F97]  }
0x1a: {  	s8 =	sadd.s32 $0xFFFFE003, lr  }
0x1b: {  	s9 =	sadd.s32 $0xFFFFFEF7, lr;
	s5 =	simm.s32 $0xFFFFFFFF;
	p2 =	slt.u32 s8, $0xFFFFF086  }
0x1c: {  	p1 =	slt.u32 s9, $0xF7A;
	s5 =	simm.s32 @!p2 $0x0  }
0x1d: {  	s5 =	simm.s32 @p1 $0x1;
	p0 =	seq.s32 s7, s2  }
0x1e: {  	s7 =	smul.u32 @!p0 $0xF7A, s2;
	p2 =	seq.s32 @!p0 s5, $0x0  }
0x1f: {  	s9 =	smul.u32 $0xF7A, s1;
	s8 =	simm.s32 @!p0 $0x1BF5;
	p2 =	por !p2, p0  }
0x20: {  	[sflag:s8] =	ssyncset.s32 @!p0 $0xFFFFF086;
	s6 =	sadd.s32 @!p0 s3, s7;
	s7 =	simm.s32 @!p0 $0x108  }
0x21: {  	s3 =	sadd.s32 s3, s9;
	s6 =	sadd.s32 @!p0 $0x88, s6;
	s7 =	simm.s32 @p2 $0x1082  }
0x22: {  	[simem:s7], [sflag:s8] =	dma.local @!p0 [hbm:s6], $0xF7A  }
0x23: {  	s9 =	sor.u32 $0xD0000000, s2;
	s6 =	simm.s32 $0x108;
	_ =	swait.ge @!p0 [sflag:s8], $0x0  }
0x24: {  	s3 =	sadd.s32 $0x88, s3;
	s6 =	simm.s32 @!p1 $0x1082;
	[sflag:s4] =	ssyncset.s32 $0xFFFFF086  }
0x25: {  	[simem:s6], [sflag:s4] =	dma.local [hbm:s3], $0xF7A  }
0x26: {  	[smem:$0x3F97] =	sst s1;
	(tag) =	ssettag s2;
	_ =	strace s9  }
0x27: {  	s1 =	sld [smem:$0x3FA7]  }
0x28: {  	s2 =	sld [smem:$0x3FA8]  }
0x29: {  	s4 =	sld [smem:$0x3FAA]  }
0x2a: {  	p0 =	seq.s32 s5, $0x0;
	s5 =	sld [smem:$0x3FAB]  }
0x2b: {  	s6 =	sld [smem:$0x3FAC]  }
0x2c: {  	s7 =	sld [smem:$0x3FAD]  }
0x2d: {  	s3 =	simm.s32 $0x108;
	s8 =	sld [smem:$0x3FAE]  }
0x2e: {  	s3 =	simm.s32 @!p0 $0x1082;
	s9 =	sld [smem:$0x3FAF]  }
0x2f: {  	lr =	sadd.s32 s0, s3;
	s0 =	sld [smem:$0x3FA6]  }
0x30: {  	s3 =	sld [smem:$0x3FA9]  }
0x31: {  	[smem:$0x3FB2] =	sst s10  }
0x32: {  	s10 =	sld [smem:$0x3FB0];
	_ =	sdelay $0x3  }
0x33: {  	p0 =	seq.s32 s10, $0x1;
	s10 =	sld [smem:$0x3FB2];
	_ =	sdelay $0x3  }
0x34: {  	[smem:$0x3FB2] =	sst s10  }
0x35: {  	s10 =	sld [smem:$0x3FB1];
	_ =	sdelay $0x3  }
0x36: {  	p1 =	seq.s32 s10, $0x1;
	s10 =	sld [smem:$0x3FB2];
	_ =	sdelay $0x3  }
0x37: {  	[smem:$0x3FB2] =	sst s10  }
0x38: {  	s10 =	sld [smem:$0x3FB3]  }
0x39: {  	_ = 	snop;
	(pc) =	sbr.ind lr, $3  }
0x3a: {  	_ = 	snop  }
0x3b: {  	_ = 	snop  }
0x3c: {  	p2 =	seq.s32 s10, $0x1;
	s10 =	sld [smem:$0x3FB2]  }
0x3d: {  	_ =	shalt  }
0x3e: {  	_ =	shalt  }
0x3f: {  	_ =	shalt  }
0x40: {  	_ =	shalt  }
0x41: {  	_ =	shalt  }
0x42: {  	_ =	shalt  }
0x43: {  	_ =	shalt  }
0x44: {  	_ =	shalt  }
0x45: {  	_ =	shalt  }
0x46: {  	_ =	shalt  }
0x47: {  	_ =	shalt  }
0x48: {  	_ =	shalt  }
0x49: {  	_ =	shalt  }
0x4a: {  	_ =	shalt  }
0x4b: {  	_ =	shalt  }
0x4c: {  	_ =	shalt  }
0x4d: {  	_ =	shalt  }
0x4e: {  	_ =	shalt  }
0x4f: {  	_ =	shalt  }
0x50: {  	_ =	shalt  }
0x51: {  	_ =	shalt  }
0x52: {  	_ =	shalt  }
0x53: {  	_ =	shalt  }
0x54: {  	_ =	shalt  }
0x55: {  	_ =	shalt  }
0x56: {  	_ =	shalt  }
0x57: {  	_ =	shalt  }
0x58: {  	_ =	shalt  }
0x59: {  	_ =	shalt  }
0x5a: {  	_ =	shalt  }
0x5b: {  	_ =	shalt  }
0x5c: {  	_ =	shalt  }
0x5d: {  	_ =	shalt  }
0x5e: {  	_ =	shalt  }
0x5f: {  	_ =	shalt  }
0x60: {  	_ =	shalt  }
0x61: {  	_ =	shalt  }
0x62: {  	_ =	shalt  }
0x63: {  	_ =	shalt  }
0x64: {  	_ =	shalt  }
0x65: {  	_ =	shalt  }
0x66: {  	_ =	shalt  }
0x67: {  	_ =	shalt  }
0x68: {  	_ =	shalt  }
0x69: {  	_ =	shalt  }
0x6a: {  	_ =	shalt  }
0x6b: {  	_ =	shalt  }
0x6c: {  	_ =	shalt  }
0x6d: {  	_ =	shalt  }
0x6e: {  	_ =	shalt  }
0x6f: {  	_ =	shalt  }
0x70: {  	_ =	shalt  }
0x71: {  	_ =	shalt  }
0x72: {  	_ =	shalt  }
0x73: {  	_ =	shalt  }
0x74: {  	_ =	shalt  }
0x75: {  	_ =	shalt  }
0x76: {  	_ =	shalt  }
0x77: {  	_ =	shalt  }
0x78: {  	_ =	shalt  }
0x79: {  	_ =	shalt  }
0x7a: {  	_ =	shalt  }
0x7b: {  	_ =	shalt  }
0x7c: {  	_ =	shalt  }
0x7d: {  	_ =	shalt  }
0x7e: {  	_ =	shalt  }
0x7f: {  	_ =	shalt  }
0x80: {  	_ =	shalt  }
0x81: {  	_ =	shalt  }
0x82: {  	_ =	shalt  }
0x83: {  	_ =	shalt  }
0x84: {  	_ =	shalt  }
0x85: {  	_ =	shalt  }
0x86: {  	_ =	shalt  }
0x87: {  	_ =	shalt  }
.Lfunc_end0:
.L_simem_size_0:
called_computation.1_lowered:
.L_overlay_start_0:
0x88: {  	s2 =	sld [smem:$0x3FD9]  }
0x89: {  	s3 =	sld [smem:$0x3FFE];
	_ =	sdelay $0x1  }
0x8a: {  	s1 =	srdreg.scid  }
0x8b: {  	s0 =	sand.u32 $0x1, s1  }
0x8c: {  	s16 =	sshll.u32 s0, $0xA;
	s2 =	sadd.s32 s3, s2  }
0x8d: {  	s2 =	sadd.s32 s2, s16  }
0x8e: {  	[smem:$0x3FBE] =	sst s2  }
0x8f: {  	_ = 	snop  }
0x90: {  	(tm) =	ssettm $0x1  }
0x91: {  	s17 =	sld [smem:$0x3FFB];
	_ =	sdelay $0x3  }
0x92: {  	_ =	strace s17  }
0x93: {  	s2 =	sld [smem:$0x3FFC];
	_ =	sdelay $0x3  }
0x94: {  	_ =	strace s2  }
0x95: {  	s2 =	sld [smem:$0x3FFD];
	_ =	sdelay $0x3  }
0x96: {  	_ =	strace s2  }
0x97: {  	_ =	strace $0x8FFFFFFF  }
0x98: {  	s18 =	sld [smem:$0x3FDB];
	_ =	sdelay $0x1  }
0x99: {  	s19 =	simm.s32 $_scs_section_size  }
0x9a: {  	s4 =	simm.s32 $_size__tile_overlayer_lowered;
	s5 =	simm.s32 $_tile_overlayer_lowered  }
0x9b: {  	s22 =	simm.s32 $0x1BFF;
	s21 =	sshll.u32 s5, $0x1;
	s2 =	sadd.s32 s19, s18  }
0x9c: {  	s6 =	simm.s32 $0x0;
	s20 =	sshll.u32 s4, $0x1;
	s4 =	sadd.s32 s21, s2  }
0x9d: {  	[timem:s6], [sflag:s22] =	dma.local [hbm:s4], s20  }
0x9e: {  	_ =	swait.ge [sflag:s22], s20  }
0x9f: {  	s3 =	ssub.s32 $0x0, s20;
	[sflag:s22] =	ssyncset.done $0x0  }
0xa0: {  	[sflag:s22] =	ssyncadd.s32 s3;
	_ =	sdelay $0x1  }
0xa1: {  	s23 =	simm.s32 $0x1B8B  }
0xa2: {  	_ =	swait.ge [sflag:s23], $0x1  }
0xa3: {  	[sflag:s23] =	ssyncset.done $0x0  }
0xa4: {  	s25 =	simm.s32 $0x1B8E;
	s24 =	sld [smem:$0x3FFE];
	[sflag:s23] =	ssyncadd.s32 $0xFFFFFFFF  }
0xa5: {  	s26 =	simm.s32 $execute0_lowered;
	[smem:$0x3FD2] =	sst s25  }
0xa6: {  	s4 =	sshll.u32 s26, $0x1;
	_ =	strace $0x80000049;
	[dreg:$0x1] =	wrdreg $0xFFFFFFFF  }
0xa7: {  	s28 =	simm.s32 $_size_execute0_lowered;
	s2 =	sadd.s32 s2, s4;
	[dreg:$0x0] =	wrdreg $0x0  }
0xa8: {  	s4 =	sshll.u32 s28, $0x1;
	[dreg:$0x2] =	wrdreg s2  }
0xa9: {  	[dreg:$0x3] =	wrdreg s4  }
0xaa: {  	[dreg:$0x4] =	wrdreg $0xC0  }
0xab: {  	_ =	task [dreg:s6], $0x5FFFF  }
0xac: {  	[dreg:$0x1] =	wrdreg $0xFFFFFFFF  }
0xad: {  	[dreg:$0x0] =	wrdreg $0x60  }
0xae: {  	[dreg:$0x2] =	wrdreg s24  }
0xaf: {  	[dreg:$0x3] =	wrdreg $0x116200  }
0xb0: {  	[dreg:$0x4] =	wrdreg $0x76200  }
0xb1: {  	[dreg:$0x5] =	wrdreg $0x9  }
0xb2: {  	_ =	task.clear_ibuf [dreg:s6], $0x6FFFF;
	_ =	strace $0x90000049  }
0xb3: {  	s29 =	simm.s32 $0x9;
	_ =	strace $0x8000004B  }
0xb4: {  	_ =	swait.ge [sflag:s29], $0x1  }
0xb5: {  	[sflag:s29] =	ssyncadd.s32 $0xFFFFFFFF  }
0xb6: {  	_ =	strace $0x9000004B  }
0xb7: {  	_ =	sfence  }
0xb8: {  	s30 =	sld [smem:$0x0];
	_ =	sdelay $0x2  }
0xb9: {  	s31 =	sshll.u32 s1, $0xD;
	s1 =	sshrl.u32 s1, $0x2  }
0xba: {  	s3 =	sand.u32 $0x4000, s31;
	s1 =	sadd.s32 s1, s30  }
0xbb: {  	s0 =	sor.u32 s3, s0;
	s1 =	sshll.u32 s1, $0x11  }
0xbc: {  	s0 =	sor.u32 s1, s0  }
0xbd: {  	s0 =	sadd.s32 $0x8F2B, s0  }
0xbe: {  	[sflag:s0] =	ssyncadd.remote.s32 $0x1  }
0xbf: {  	_ =	sfence.sel $0xFFFF  }
0xc0: {  	[dreg:$0x0] =	wrdreg $0xFFFFFFFF;
	(pc) =	sbr.abs _section_cstart, $3  }
0xc1: {  	[dreg:$0x1] =	wrdreg $0xFFFFFFFF  }
0xc2: {  	_ =	task.clear_ibuf [dreg:s6], $0x2FFFF;
	_ =	strace $0x9FFFFFFF  }
0xc3: {  	(tm) =	ssettm $0x7FFFFFFF  }
tec
execute0_lowered:
.L_overlay_start_1:
0x0: {  	(tag) =	ssettag $0x1  }
0x1: {  	s5 =	rddreg [dreg:$0x0]  }
0x2: {  	s2 =	rddreg [dreg:$0x1]  }
0x3: {  	s0 =	srdreg.scid;
	s3 =	rddreg [dreg:$0x2];
	s4 =	simm.s32 $0x0  }
0x4: {  	s16 =	simm.s32 $0x50;
	s17 =	simm.s32 $0x4E20;
	s18 =	simm.s32 $0x1  }
0x5: {  	s19 =	simm.s32 $0x6220;
	s20 =	simm.s32 $0x2;
	s21 =	simm.s32 $0x2760  }
0x6: {  	s22 =	simm.s32 $0x3;
	s23 =	simm.s32 $0xA0;
	s24 =	simm.s32 $0x4  }
0x7: {  	s25 =	simm.s32 $0x4DD0;
	s6 =	sand.u32 $0x1, s0;
	s0 =	stileid.u32  }
0x8: {  	s26 =	simm.s32 $0x0;
	[smem:$0x7FF] =	sst s4;
	s7 =	smul.u32 $0xA000, s0  }
0x9: {  	s1 =	sshll.u32 s6, $0x4;
	s10 =	smul.u32 $0xA0000, s6;
	s6 =	ssub.s32 $0x2, s6  }
0xa: {  	s31 =	sshll.u32 s0, $0x6;
	s8 =	sor.u32 s0, s1;
	s1 =	rddreg [dreg:$0x3]  }
0xb: {  	_ =	strace $0x8000004A;
	s30 =	sshrl.u32 s6, $0x1;
	s8 =	smul.u32 $0x2710, s8  }
0xc: {  	s9 =	sshrl.u32 s7, $0x3;
	s10 =	sadd.s32 s7, s10;
	s13 =	ssub.s32 s6, s30  }
0xd: {  	s14 =	sadd.s32 s7, s2;
	s6 =	sor.u32 $0x1C05, s31;
	s15 =	sadd.s32 s7, s3  }
0xe: {  	s9 =	sadd.s32 s9, s5;
	s29 =	sshrl.u32 s10, $0x3;
	s8 =	sshrl.u32 s8, $0x3  }
0xf: {  	s12 =	sadd.s32 s29, s5;
	s7 =	sadd.s32 $0x16000, s9;
	s11 =	sadd.s32 s8, s5  }
0x10: {  	s5 =	sadd.s32 $0x2A000, s9;
	s10 =	sadd.s32 $0x3E000, s12;
	s12 =	sshrl.u32 s14, $0x3  }
0x11: {  	s14 =	sshrl.u32 s15, $0x3;
	s15 =	simm.s32 $0x2710;
	s8 =	sadd.s32 $0x2600, s11  }
0x12: {  	s9 =	sadd.s32 $0xC240, s11;
	s11 =	smax.u32 s13, $0x1;
	s13 =	simm.s32 $0x5  }
.LBB2_1:
0x13: {  	[spmem:s12], [sflag:s6] =	dma.local [hbm:s5], $0x1400  }
0x14: {  	_ =	swait.ge [sflag:s13], $0x1400  }
0x15: {  	[sflag:s13] =	ssyncset.done $0x0  }
0x16: {  	[sflag:s13] =	ssyncadd.s32 $0xFFFFEC00  }
0x17: {  	[spmem:s14], [sflag:s6] =	dma.local [hbm:s7], $0x1400  }
0x18: {  	_ =	swait.ge [sflag:s13], $0x1400  }
0x19: {  	[sflag:s13] =	ssyncset.done $0x0  }
0x1a: {  	[sflag:s13] =	ssyncadd.s32 $0xFFFFEC00  }
0x1b: {  	[tilespmem:s4], [sflag:$0x5] =	stream.linear.gather [hbm4b:s8+s4], $0x2710, $0x38;
	[tilespmem:$0x1B620] =	vst v63  }
0x1c: {  	_ =	swait.ge [sflag:s13], $0x2710  }
0x1d: {  	[sflag:s13] =	ssyncset.done $0x0  }
0x1e: {  	[sflag:s13] =	ssyncadd.s32 $0xFFFFD8F0  }
0x1f: {  	[tilespmem:s15], [sflag:$0x5] =	stream.linear.gather [hbm4b:s9+s4], $0x2710, $0x38;
	[tilespmem:$0x1B620] =	vst v63  }
0x20: {  	_ =	swait.ge [sflag:s13], $0x2710  }
0x21: {  	[sflag:s13] =	ssyncset.done $0x0  }
0x22: {  	[sflag:s13] =	ssyncadd.s32 $0xFFFFD8F0  }
0x23: {  	[bflag:$0x0] =	sbarrier.arrive $0xFFFF  }
0x24: {  	[tilespmem:s17], [sflag:$0x1] =	stream.indirect.gather [spmem:s3], $0x40, s4, s16, $0xb8;
	[tilespmem:$0x1B620] =	vst v63  }
0x25: {  	_ =	swait.ge [sflag:s18], $0x1400  }
0x26: {  	[sflag:s18] =	ssyncset.done $0x0  }
0x27: {  	[sflag:s18] =	ssyncadd.s32 $0xFFFFEC00  }
0x28: {  	[spmem:s2] =	stream.indirect.scatter.add.f32 [tilespmem:s17], [sflag:$0x3], $0x40, s15, s16, $0xb8;
	[tilespmem:$0x1B620] =	vst v63  }
0x29: {  	_ = 	snop  }
0x2a: {  	[tilespmem:s19], [sflag:$0x2] =	stream.indirect.gather [spmem:s3], $0x40, s16, s16, $0xb8;
	[tilespmem:$0x1B620] =	vst v63  }
0x2b: {  	_ =	swait.ge [sflag:s20], $0x1400  }
0x2c: {  	[sflag:s20] =	ssyncset.done $0x0  }
0x2d: {  	[sflag:s20] =	ssyncadd.s32 $0xFFFFEC00  }
0x2e: {  	[spmem:s2] =	stream.indirect.scatter.add.f32 [tilespmem:s19], [sflag:$0x4], $0x40, s21, s16, $0xb8;
	[tilespmem:$0x1B620] =	vst v63  }
0x2f: {  	_ =	swait.ge [sflag:s22], $0x1400  }
0x30: {  	[sflag:s22] =	ssyncset.done $0x0  }
0x31: {  	[sflag:s22] =	ssyncadd.s32 $0xFFFFEC00  }
0x32: {  	[tilespmem:s17], [sflag:$0x1] =	stream.indirect.gather [spmem:s3], $0x40, s23, s16, $0xb8;
	[tilespmem:$0x1B620] =	vst v63  }
0x33: {  	_ =	swait.ge [sflag:s18], $0x1400  }
0x34: {  	[sflag:s18] =	ssyncset.done $0x0  }
0x35: {  	s28 =	simm.s32 $0x27B0;
	[sflag:s18] =	ssyncadd.s32 $0xFFFFEC00  }
0x36: {  	[spmem:s2] =	stream.indirect.scatter.add.f32 [tilespmem:s17], [sflag:$0x3], $0x40, s28, s16, $0xb8;
	[tilespmem:$0x1B620] =	vst v63  }
0x37: {  	_ =	swait.ge [sflag:s24], $0x1400  }
0x38: {  	[sflag:s24] =	ssyncset.done $0x0  }
0x39: {  	s28 =	simm.s32 $0xF0;
	[sflag:s24] =	ssyncadd.s32 $0xFFFFEC00  }
0x3a: {  	[tilespmem:s19], [sflag:$0x2] =	stream.indirect.gather [spmem:s3], $0x40, s28, s16, $0xb8;
	[tilespmem:$0x1B620] =	vst v63  }
0x3b: {  	_ =	swait.ge [sflag:s20], $0x1400  }
0x3c: {  	[sflag:s20] =	ssyncset.done $0x0  }
0x3d: {  	s28 =	simm.s32 $0x2800;
	[sflag:s20] =	ssyncadd.s32 $0xFFFFEC00  }
0x3e: {  	[spmem:s2] =	stream.indirect.scatter.add.f32 [tilespmem:s19], [sflag:$0x4], $0x40, s28, s16, $0xb8;
	[tilespmem:$0x1B620] =	vst v63  }
0x3f: {  	_ =	swait.ge [sflag:s22], $0x1400  }
0x40: {  	[sflag:s22] =	ssyncset.done $0x0  }
0x41: {  	s29 =	simm.s32 $0x140;
	s28 =	simm.s32 $0xFFFF6A00;
	[sflag:s22] =	ssyncadd.s32 $0xFFFFEC00  }
.LBB2_2:
0x42: {  	[tilespmem:s17], [sflag:$0x1] =	stream.indirect.gather [spmem:s3], $0x40, s29, s16, $0xb8;
	[tilespmem:$0x1B620] =	vst v63  }
0x43: {  	s29 =	smov.u32 s28  }
0x44: {  	p0 =	sne.s32 s28, $0xFFFFFD80;
	s28 =	sadd.s32 $0x280, s28;
	_ =	swait.ge [sflag:s18], $0x1400  }
0x45: {  	s29 =	sshra.s32 s29, $0x2;
	[sflag:s18] =	ssyncset.done $0x0  }
0x46: {  	s30 =	sadd.s32 $0x4DD0, s29;
	[sflag:s18] =	ssyncadd.s32 $0xFFFFEC00  }
0x47: {  	[spmem:s2] =	stream.indirect.scatter.add.f32 [tilespmem:s17], [sflag:$0x3], $0x40, s30, s16, $0xb8;
	[tilespmem:$0x1B620] =	vst v63  }
0x48: {  	_ =	swait.ge [sflag:s24], $0x1400  }
0x49: {  	[sflag:s24] =	ssyncset.done $0x0  }
0x4a: {  	s30 =	sadd.s32 $0x2710, s29;
	[sflag:s24] =	ssyncadd.s32 $0xFFFFEC00  }
0x4b: {  	[tilespmem:s19], [sflag:$0x2] =	stream.indirect.gather [spmem:s3], $0x40, s30, s16, $0xb8;
	[tilespmem:$0x1B620] =	vst v63  }
0x4c: {  	_ =	swait.ge [sflag:s20], $0x1400  }
0x4d: {  	[sflag:s20] =	ssyncset.done $0x0  }
.Ltmp0:
0x4e: {  	s30 =	sadd.s32 $0x4E20, s29;
	[sflag:s20] =	ssyncadd.s32 $0xFFFFEC00;
	(pc) =	sbr.rel @p0 .LBB2_2-.Ltmp0, $4  }
0x4f: {  	[spmem:s2] =	stream.indirect.scatter.add.f32 [tilespmem:s19], [sflag:$0x4], $0x40, s30, s16, $0xb8;
	[tilespmem:$0x1B620] =	vst v63  }
0x50: {  	_ =	swait.ge [sflag:s22], $0x1400  }
0x51: {  	[sflag:s22] =	ssyncset.done $0x0  }
0x52: {  	s29 =	sadd.s32 $0x2760, s29;
	[sflag:s22] =	ssyncadd.s32 $0xFFFFEC00  }
0x53: {  	[tilespmem:s17], [sflag:$0x1] =	stream.indirect.gather [spmem:s3], $0x40, s29, s16, $0xb8;
	[tilespmem:$0x1B620] =	vst v63  }
0x54: {  	_ =	swait.ge [sflag:s18], $0x1400  }
0x55: {  	[sflag:s18] =	ssyncset.done $0x0  }
0x56: {  	[sflag:s18] =	ssyncadd.s32 $0xFFFFEC00  }
0x57: {  	[spmem:s2] =	stream.indirect.scatter.add.f32 [tilespmem:s17], [sflag:$0x3], $0x40, s25, s16, $0xb8;
	[tilespmem:$0x1B620] =	vst v63  }
0x58: {  	_ =	swait.ge [sflag:s24], $0x1400  }
0x59: {  	[sflag:s24] =	ssyncset.done $0x0  }
0x5a: {  	[sflag:s24] =	ssyncadd.s32 $0xFFFFEC00  }
0x5b: {  	_ =	swait.ge [sflag:s22], $0x1400  }
0x5c: {  	s26 =	sadd.s32 $0x1, s26;
	[sflag:s22] =	ssyncset.done $0x0  }
0x5d: {  	p0 =	sne.s32 s26, s11;
	[sflag:s22] =	ssyncadd.s32 $0xFFFFEC00  }
.Ltmp1:
0x5e: {  	[bflag:$0x0] =	sbarrier.arrive $0xFFFF;
	(pc) =	sbr.rel @p0 .LBB2_1-.Ltmp1, $4  }
0x5f: {  	[hbm:s10], [sflag:s6] =	dma.local [spmem:s12], $0x1400  }
0x60: {  	_ =	swait.ge [sflag:s13], $0x1400  }
0x61: {  	[sflag:s13] =	ssyncset.done $0x0  }
0x62: {  	[sflag:s13] =	ssyncadd.s32 $0xFFFFEC00  }
0x63: {  	_ =	sfence.sel $0x180000  }
0x64: {  	[bflag:$0x0] =	sbarrier.arrive $0xFFFF  }
0x65: {  	p0 =	sne.s32 s0, $0x0;
	_ =	strace $0x9000004A  }
0x66: {  	s0 =	sadd.s32 @!p0 $0x100000, s1;
	[bflag:$0x2] =	sbarrier.arrive $0xFFFF  }
0x67: {  	[sflag:s0] =	ssyncadd.tile.s32 @!p0 $0x1;
	_ =	shalt  }
.Lfunc_end2:
_tile_overlayer_lowered:
.L_overlay_start_2:
0x68: {  	(tag) =	ssettag $0x2  }
0x69: {  	s0 =	rddreg [dreg:$0x0];
	s2 =	stileid.u32  }
0x6a: {  	s1 =	rddreg [dreg:$0x1];
	p0 =	sne.s32 s2, $0x0  }
0x6b: {  	s3 =	rddreg [dreg:$0x2];
	[bflag:$0x3] =	sbarrier.arrive $0xFFFF;
	s2 =	simm.s32 @!p0 $0x1C05  }
0x6c: {  	[timem:s3], [sflag:s2] =	dma.local @!p0 [hbm:s0], s1  }
0x6d: {  	s0 =	simm.s32 @!p0 $0x5  }
0x6e: {  	_ =	swait.ge @!p0 [sflag:s0], s1  }
0x6f: {  	s1 =	ssub.s32 @!p0 $0x0, s1;
	[sflag:s0] =	ssyncset.done @!p0 $0x0  }
0x70: {  	[sflag:s0] =	ssyncadd.s32 @!p0 s1  }
0x71: {  	[bflag:$0x3] =	sbarrier.arrive $0xFFFF  }
0x72: {  	_ =	shalt  }

// kernel: kernel.15.cloned.1.call-start
scs
__scs_entry_jumppad:
0x0: {  	(pc) =	sbr.rel $0x88, $3  }
0x1: {  	(tag) =	ssettag $0x0;
	lr =	simm.s32 $0x1  }
0x2: {  	[smem:$0x3F97] =	sst lr;
	_ =	strace $0xD0000000  }
0x3: {  	_ = 	snop  }
0x4: {  	_ = 	snop  }
0x5: {  	_ = 	snop  }
0x6: {  	_ = 	snop  }
0x7: {  	_ = 	snop  }
__scs_overlays_trampoline_lowered:
0x8: {  	[smem:$0x3FA6] =	sst s0  }
0x9: {  	[smem:$0x3FA7] =	sst s1  }
0xa: {  	[smem:$0x3FA8] =	sst s2  }
0xb: {  	[smem:$0x3FA9] =	sst s3  }
0xc: {  	[smem:$0x3FAA] =	sst s4  }
0xd: {  	[smem:$0x3FAB] =	sst s5  }
0xe: {  	[smem:$0x3FAC] =	sst s6  }
0xf: {  	[smem:$0x3FAD] =	sst s7  }
0x10: {  	[smem:$0x3FAE] =	sst s8  }
0x11: {  	[smem:$0x3FAF] =	sst s9;
	s0 =	simm.s32 @!p0 $0x0  }
0x12: {  	s1 =	sld [smem:$0x3F95];
	s0 =	simm.s32 @p0 $0x1  }
0x13: {  	[smem:$0x3FB0] =	sst s0;
	s0 =	simm.s32 @!p1 $0x0  }
0x14: {  	s2 =	sld [smem:$0x3F94];
	s0 =	simm.s32 @p1 $0x1  }
0x15: {  	[smem:$0x3FB1] =	sst s0;
	s0 =	simm.s32 @!p2 $0x0  }
0x16: {  	s3 =	sld [smem:$0x3FDB];
	s0 =	simm.s32 @p2 $0x1  }
0x17: {  	s4 =	simm.s32 $0x1BF5;
	[smem:$0x3FB3] =	sst s0  }
0x18: {  	s0 =	sld [smem:$0x3F96];
	_ =	swait.ge [sflag:s4], $0x0  }
0x19: {  	s7 =	sld [smem:$0x3F97]  }
0x1a: {  	s8 =	sadd.s32 $0xFFFFE003, lr  }
0x1b: {  	s9 =	sadd.s32 $0xFFFFFEF7, lr;
	s5 =	simm.s32 $0xFFFFFFFF;
	p2 =	slt.u32 s8, $0xFFFFF086  }
0x1c: {  	p1 =	slt.u32 s9, $0xF7A;
	s5 =	simm.s32 @!p2 $0x0  }
0x1d: {  	s5 =	simm.s32 @p1 $0x1;
	p0 =	seq.s32 s7, s2  }
0x1e: {  	s7 =	smul.u32 @!p0 $0xF7A, s2;
	p2 =	seq.s32 @!p0 s5, $0x0  }
0x1f: {  	s9 =	smul.u32 $0xF7A, s1;
	s8 =	simm.s32 @!p0 $0x1BF5;
	p2 =	por !p2, p0  }
0x20: {  	[sflag:s8] =	ssyncset.s32 @!p0 $0xFFFFF086;
	s6 =	sadd.s32 @!p0 s3, s7;
	s7 =	simm.s32 @!p0 $0x108  }
0x21: {  	s3 =	sadd.s32 s3, s9;
	s6 =	sadd.s32 @!p0 $0x88, s6;
	s7 =	simm.s32 @p2 $0x1082  }
0x22: {  	[simem:s7], [sflag:s8] =	dma.local @!p0 [hbm:s6], $0xF7A  }
0x23: {  	s9 =	sor.u32 $0xD0000000, s2;
	s6 =	simm.s32 $0x108;
	_ =	swait.ge @!p0 [sflag:s8], $0x0  }
0x24: {  	s3 =	sadd.s32 $0x88, s3;
	s6 =	simm.s32 @!p1 $0x1082;
	[sflag:s4] =	ssyncset.s32 $0xFFFFF086  }
0x25: {  	[simem:s6], [sflag:s4] =	dma.local [hbm:s3], $0xF7A  }
0x26: {  	[smem:$0x3F97] =	sst s1;
	(tag) =	ssettag s2;
	_ =	strace s9  }
0x27: {  	s1 =	sld [smem:$0x3FA7]  }
0x28: {  	s2 =	sld [smem:$0x3FA8]  }
0x29: {  	s4 =	sld [smem:$0x3FAA]  }
0x2a: {  	p0 =	seq.s32 s5, $0x0;
	s5 =	sld [smem:$0x3FAB]  }
0x2b: {  	s6 =	sld [smem:$0x3FAC]  }
0x2c: {  	s7 =	sld [smem:$0x3FAD]  }
0x2d: {  	s3 =	simm.s32 $0x108;
	s8 =	sld [smem:$0x3FAE]  }
0x2e: {  	s3 =	simm.s32 @!p0 $0x1082;
	s9 =	sld [smem:$0x3FAF]  }
0x2f: {  	lr =	sadd.s32 s0, s3;
	s0 =	sld [smem:$0x3FA6]  }
0x30: {  	s3 =	sld [smem:$0x3FA9]  }
0x31: {  	[smem:$0x3FB2] =	sst s10  }
0x32: {  	s10 =	sld [smem:$0x3FB0];
	_ =	sdelay $0x3  }
0x33: {  	p0 =	seq.s32 s10, $0x1;
	s10 =	sld [smem:$0x3FB2];
	_ =	sdelay $0x3  }
0x34: {  	[smem:$0x3FB2] =	sst s10  }
0x35: {  	s10 =	sld [smem:$0x3FB1];
	_ =	sdelay $0x3  }
0x36: {  	p1 =	seq.s32 s10, $0x1;
	s10 =	sld [smem:$0x3FB2];
	_ =	sdelay $0x3  }
0x37: {  	[smem:$0x3FB2] =	sst s10  }
0x38: {  	s10 =	sld [smem:$0x3FB3]  }
0x39: {  	_ = 	snop;
	(pc) =	sbr.ind lr, $3  }
0x3a: {  	_ = 	snop  }
0x3b: {  	_ = 	snop  }
0x3c: {  	p2 =	seq.s32 s10, $0x1;
	s10 =	sld [smem:$0x3FB2]  }
0x3d: {  	_ =	shalt  }
0x3e: {  	_ =	shalt  }
0x3f: {  	_ =	shalt  }
0x40: {  	_ =	shalt  }
0x41: {  	_ =	shalt  }
0x42: {  	_ =	shalt  }
0x43: {  	_ =	shalt  }
0x44: {  	_ =	shalt  }
0x45: {  	_ =	shalt  }
0x46: {  	_ =	shalt  }
0x47: {  	_ =	shalt  }
0x48: {  	_ =	shalt  }
0x49: {  	_ =	shalt  }
0x4a: {  	_ =	shalt  }
0x4b: {  	_ =	shalt  }
0x4c: {  	_ =	shalt  }
0x4d: {  	_ =	shalt  }
0x4e: {  	_ =	shalt  }
0x4f: {  	_ =	shalt  }
0x50: {  	_ =	shalt  }
0x51: {  	_ =	shalt  }
0x52: {  	_ =	shalt  }
0x53: {  	_ =	shalt  }
0x54: {  	_ =	shalt  }
0x55: {  	_ =	shalt  }
0x56: {  	_ =	shalt  }
0x57: {  	_ =	shalt  }
0x58: {  	_ =	shalt  }
0x59: {  	_ =	shalt  }
0x5a: {  	_ =	shalt  }
0x5b: {  	_ =	shalt  }
0x5c: {  	_ =	shalt  }
0x5d: {  	_ =	shalt  }
0x5e: {  	_ =	shalt  }
0x5f: {  	_ =	shalt  }
0x60: {  	_ =	shalt  }
0x61: {  	_ =	shalt  }
0x62: {  	_ =	shalt  }
0x63: {  	_ =	shalt  }
0x64: {  	_ =	shalt  }
0x65: {  	_ =	shalt  }
0x66: {  	_ =	shalt  }
0x67: {  	_ =	shalt  }
0x68: {  	_ =	shalt  }
0x69: {  	_ =	shalt  }
0x6a: {  	_ =	shalt  }
0x6b: {  	_ =	shalt  }
0x6c: {  	_ =	shalt  }
0x6d: {  	_ =	shalt  }
0x6e: {  	_ =	shalt  }
0x6f: {  	_ =	shalt  }
0x70: {  	_ =	shalt  }
0x71: {  	_ =	shalt  }
0x72: {  	_ =	shalt  }
0x73: {  	_ =	shalt  }
0x74: {  	_ =	shalt  }
0x75: {  	_ =	shalt  }
0x76: {  	_ =	shalt  }
0x77: {  	_ =	shalt  }
0x78: {  	_ =	shalt  }
0x79: {  	_ =	shalt  }
0x7a: {  	_ =	shalt  }
0x7b: {  	_ =	shalt  }
0x7c: {  	_ =	shalt  }
0x7d: {  	_ =	shalt  }
0x7e: {  	_ =	shalt  }
0x7f: {  	_ =	shalt  }
0x80: {  	_ =	shalt  }
0x81: {  	_ =	shalt  }
0x82: {  	_ =	shalt  }
0x83: {  	_ =	shalt  }
0x84: {  	_ =	shalt  }
0x85: {  	_ =	shalt  }
0x86: {  	_ =	shalt  }
0x87: {  	_ =	shalt  }
.Lfunc_end0:
.L_simem_size_0:
called_computation.2_lowered:
.L_overlay_start_0:
0x88: {  	s2 =	sld [smem:$0x3FD9]  }
0x89: {  	s3 =	sld [smem:$0x3FFE];
	_ =	sdelay $0x1  }
0x8a: {  	s1 =	srdreg.scid  }
0x8b: {  	s0 =	sand.u32 $0x1, s1  }
0x8c: {  	s16 =	sshll.u32 s0, $0xA;
	s2 =	sadd.s32 s3, s2  }
0x8d: {  	s2 =	sadd.s32 s2, s16  }
0x8e: {  	[smem:$0x3FBE] =	sst s2  }
0x8f: {  	_ = 	snop  }
0x90: {  	(tm) =	ssettm $0x1  }
0x91: {  	s17 =	sld [smem:$0x3FFB];
	_ =	sdelay $0x3  }
0x92: {  	_ =	strace s17  }
0x93: {  	s2 =	sld [smem:$0x3FFC];
	_ =	sdelay $0x3  }
0x94: {  	_ =	strace s2  }
0x95: {  	s2 =	sld [smem:$0x3FFD];
	_ =	sdelay $0x3  }
0x96: {  	_ =	strace s2  }
0x97: {  	_ =	strace $0x8FFFFFFF  }
0x98: {  	s18 =	sld [smem:$0x3FDB];
	_ =	sdelay $0x1  }
0x99: {  	s19 =	simm.s32 $_scs_section_size  }
0x9a: {  	s4 =	simm.s32 $_size__tile_overlayer_lowered;
	s5 =	simm.s32 $_tile_overlayer_lowered  }
0x9b: {  	s22 =	simm.s32 $0x1BFF;
	s21 =	sshll.u32 s5, $0x1;
	s2 =	sadd.s32 s19, s18  }
0x9c: {  	s6 =	simm.s32 $0x0;
	s20 =	sshll.u32 s4, $0x1;
	s4 =	sadd.s32 s21, s2  }
0x9d: {  	[timem:s6], [sflag:s22] =	dma.local [hbm:s4], s20  }
0x9e: {  	_ =	swait.ge [sflag:s22], s20  }
0x9f: {  	s3 =	ssub.s32 $0x0, s20;
	[sflag:s22] =	ssyncset.done $0x0  }
0xa0: {  	[sflag:s22] =	ssyncadd.s32 s3;
	_ =	sdelay $0x1  }
0xa1: {  	s23 =	simm.s32 $0x1B8B  }
0xa2: {  	_ =	swait.ge [sflag:s23], $0x1  }
0xa3: {  	[sflag:s23] =	ssyncset.done $0x0  }
0xa4: {  	s25 =	simm.s32 $0x1B8E;
	s24 =	sld [smem:$0x3FFE];
	[sflag:s23] =	ssyncadd.s32 $0xFFFFFFFF  }
0xa5: {  	s26 =	simm.s32 $execute0_lowered;
	[smem:$0x3FD2] =	sst s25  }
0xa6: {  	s4 =	sshll.u32 s26, $0x1;
	_ =	strace $0x8000004C;
	[dreg:$0x1] =	wrdreg $0xFFFFFFFF  }
0xa7: {  	s28 =	simm.s32 $_size_execute0_lowered;
	s2 =	sadd.s32 s2, s4;
	[dreg:$0x0] =	wrdreg $0x0  }
0xa8: {  	s4 =	sshll.u32 s28, $0x1;
	[dreg:$0x2] =	wrdreg s2  }
0xa9: {  	[dreg:$0x3] =	wrdreg s4  }
0xaa: {  	[dreg:$0x4] =	wrdreg $0xC0  }
0xab: {  	_ =	task [dreg:s6], $0x5FFFF  }
0xac: {  	[dreg:$0x1] =	wrdreg $0xFFFFFFFF  }
0xad: {  	[dreg:$0x0] =	wrdreg $0x60  }
0xae: {  	[dreg:$0x2] =	wrdreg s24  }
0xaf: {  	[dreg:$0x3] =	wrdreg $0x116200  }
0xb0: {  	[dreg:$0x4] =	wrdreg $0x76200  }
0xb1: {  	[dreg:$0x5] =	wrdreg $0x9  }
0xb2: {  	_ =	task.clear_ibuf [dreg:s6], $0x6FFFF;
	_ =	strace $0x9000004C  }
0xb3: {  	s29 =	simm.s32 $0x9;
	_ =	strace $0x8000004E  }
0xb4: {  	_ =	swait.ge [sflag:s29], $0x1  }
0xb5: {  	[sflag:s29] =	ssyncadd.s32 $0xFFFFFFFF  }
0xb6: {  	_ =	strace $0x9000004E  }
0xb7: {  	_ =	sfence  }
0xb8: {  	s30 =	sld [smem:$0x0];
	_ =	sdelay $0x2  }
0xb9: {  	s31 =	sshll.u32 s1, $0xD;
	s1 =	sshrl.u32 s1, $0x2  }
0xba: {  	s3 =	sand.u32 $0x4000, s31;
	s1 =	sadd.s32 s1, s30  }
0xbb: {  	s0 =	sor.u32 s3, s0;
	s1 =	sshll.u32 s1, $0x11  }
0xbc: {  	s0 =	sor.u32 s1, s0  }
0xbd: {  	s0 =	sadd.s32 $0x8F2B, s0  }
0xbe: {  	[sflag:s0] =	ssyncadd.remote.s32 $0x1  }
0xbf: {  	_ =	sfence.sel $0xFFFF  }
0xc0: {  	[dreg:$0x0] =	wrdreg $0xFFFFFFFF;
	(pc) =	sbr.abs _section_cstart, $3  }
0xc1: {  	[dreg:$0x1] =	wrdreg $0xFFFFFFFF  }
0xc2: {  	_ =	task.clear_ibuf [dreg:s6], $0x2FFFF;
	_ =	strace $0x9FFFFFFF  }
0xc3: {  	(tm) =	ssettm $0x7FFFFFFF  }
tec
execute0_lowered:
.L_overlay_start_1:
0x0: {  	(tag) =	ssettag $0x1  }
0x1: {  	s5 =	rddreg [dreg:$0x0]  }
0x2: {  	s2 =	rddreg [dreg:$0x1]  }
0x3: {  	s0 =	srdreg.scid;
	s3 =	rddreg [dreg:$0x2];
	s4 =	simm.s32 $0x0  }
0x4: {  	s16 =	simm.s32 $0x50;
	s17 =	simm.s32 $0x4E20;
	s18 =	simm.s32 $0x1  }
0x5: {  	s19 =	simm.s32 $0x6220;
	s20 =	simm.s32 $0x2;
	s21 =	simm.s32 $0x2760  }
0x6: {  	s22 =	simm.s32 $0x3;
	s23 =	simm.s32 $0xA0;
	s24 =	simm.s32 $0x4  }
0x7: {  	s25 =	simm.s32 $0x4DD0;
	s6 =	sand.u32 $0x1, s0;
	s0 =	stileid.u32  }
0x8: {  	s26 =	simm.s32 $0x0;
	[smem:$0x7FF] =	sst s4;
	s7 =	smul.u32 $0xA000, s0  }
0x9: {  	s1 =	sshll.u32 s6, $0x4;
	s10 =	smul.u32 $0xA0000, s6;
	s6 =	ssub.s32 $0x2, s6  }
0xa: {  	s31 =	sshll.u32 s0, $0x6;
	s8 =	sor.u32 s0, s1;
	s1 =	rddreg [dreg:$0x3]  }
0xb: {  	_ =	strace $0x8000004D;
	s30 =	sshrl.u32 s6, $0x1;
	s8 =	smul.u32 $0x2710, s8  }
0xc: {  	s9 =	sshrl.u32 s7, $0x3;
	s10 =	sadd.s32 s7, s10;
	s13 =	ssub.s32 s6, s30  }
0xd: {  	s14 =	sadd.s32 s7, s2;
	s6 =	sor.u32 $0x1C05, s31;
	s15 =	sadd.s32 s7, s3  }
0xe: {  	s9 =	sadd.s32 s9, s5;
	s29 =	sshrl.u32 s10, $0x3;
	s8 =	sshrl.u32 s8, $0x3  }
0xf: {  	s12 =	sadd.s32 s29, s5;
	s7 =	sadd.s32 $0x16000, s9;
	s11 =	sadd.s32 s8, s5  }
0x10: {  	s5 =	sadd.s32 $0x2A000, s9;
	s10 =	sadd.s32 $0x3E000, s12;
	s12 =	sshrl.u32 s14, $0x3  }
0x11: {  	s14 =	sshrl.u32 s15, $0x3;
	s15 =	simm.s32 $0x2710;
	s8 =	sadd.s32 $0x2600, s11  }
0x12: {  	s9 =	sadd.s32 $0xC240, s11;
	s11 =	smax.u32 s13, $0x1;
	s13 =	simm.s32 $0x5  }
.LBB2_1:
0x13: {  	[spmem:s12], [sflag:s6] =	dma.local [hbm:s5], $0x1400  }
0x14: {  	_ =	swait.ge [sflag:s13], $0x1400  }
0x15: {  	[sflag:s13] =	ssyncset.done $0x0  }
0x16: {  	[sflag:s13] =	ssyncadd.s32 $0xFFFFEC00  }
0x17: {  	[spmem:s14], [sflag:s6] =	dma.local [hbm:s7], $0x1400  }
0x18: {  	_ =	swait.ge [sflag:s13], $0x1400  }
0x19: {  	[sflag:s13] =	ssyncset.done $0x0  }
0x1a: {  	[sflag:s13] =	ssyncadd.s32 $0xFFFFEC00  }
0x1b: {  	[tilespmem:s4], [sflag:$0x5] =	stream.linear.gather [hbm4b:s8+s4], $0x2710, $0x38;
	[tilespmem:$0x1B620] =	vst v63  }
0x1c: {  	_ =	swait.ge [sflag:s13], $0x2710  }
0x1d: {  	[sflag:s13] =	ssyncset.done $0x0  }
0x1e: {  	[sflag:s13] =	ssyncadd.s32 $0xFFFFD8F0  }
0x1f: {  	[tilespmem:s15], [sflag:$0x5] =	stream.linear.gather [hbm4b:s9+s4], $0x2710, $0x38;
	[tilespmem:$0x1B620] =	vst v63  }
0x20: {  	_ =	swait.ge [sflag:s13], $0x2710  }
0x21: {  	[sflag:s13] =	ssyncset.done $0x0  }
0x22: {  	[sflag:s13] =	ssyncadd.s32 $0xFFFFD8F0  }
0x23: {  	[bflag:$0x0] =	sbarrier.arrive $0xFFFF  }
0x24: {  	[tilespmem:s17], [sflag:$0x1] =	stream.indirect.gather [spmem:s3], $0x40, s4, s16, $0xb8;
	[tilespmem:$0x1B620] =	vst v63  }
0x25: {  	_ =	swait.ge [sflag:s18], $0x1400  }
0x26: {  	[sflag:s18] =	ssyncset.done $0x0  }
0x27: {  	[sflag:s18] =	ssyncadd.s32 $0xFFFFEC00  }
0x28: {  	[spmem:s2] =	stream.indirect.scatter.add.f32 [tilespmem:s17], [sflag:$0x3], $0x40, s15, s16, $0xb8;
	[tilespmem:$0x1B620] =	vst v63  }
0x29: {  	_ = 	snop  }
0x2a: {  	[tilespmem:s19], [sflag:$0x2] =	stream.indirect.gather [spmem:s3], $0x40, s16, s16, $0xb8;
	[tilespmem:$0x1B620] =	vst v63  }
0x2b: {  	_ =	swait.ge [sflag:s20], $0x1400  }
0x2c: {  	[sflag:s20] =	ssyncset.done $0x0  }
0x2d: {  	[sflag:s20] =	ssyncadd.s32 $0xFFFFEC00  }
0x2e: {  	[spmem:s2] =	stream.indirect.scatter.add.f32 [tilespmem:s19], [sflag:$0x4], $0x40, s21, s16, $0xb8;
	[tilespmem:$0x1B620] =	vst v63  }
0x2f: {  	_ =	swait.ge [sflag:s22], $0x1400  }
0x30: {  	[sflag:s22] =	ssyncset.done $0x0  }
0x31: {  	[sflag:s22] =	ssyncadd.s32 $0xFFFFEC00  }
0x32: {  	[tilespmem:s17], [sflag:$0x1] =	stream.indirect.gather [spmem:s3], $0x40, s23, s16, $0xb8;
	[tilespmem:$0x1B620] =	vst v63  }
0x33: {  	_ =	swait.ge [sflag:s18], $0x1400  }
0x34: {  	[sflag:s18] =	ssyncset.done $0x0  }
0x35: {  	s28 =	simm.s32 $0x27B0;
	[sflag:s18] =	ssyncadd.s32 $0xFFFFEC00  }
0x36: {  	[spmem:s2] =	stream.indirect.scatter.add.f32 [tilespmem:s17], [sflag:$0x3], $0x40, s28, s16, $0xb8;
	[tilespmem:$0x1B620] =	vst v63  }
0x37: {  	_ =	swait.ge [sflag:s24], $0x1400  }
0x38: {  	[sflag:s24] =	ssyncset.done $0x0  }
0x39: {  	s28 =	simm.s32 $0xF0;
	[sflag:s24] =	ssyncadd.s32 $0xFFFFEC00  }
0x3a: {  	[tilespmem:s19], [sflag:$0x2] =	stream.indirect.gather [spmem:s3], $0x40, s28, s16, $0xb8;
	[tilespmem:$0x1B620] =	vst v63  }
0x3b: {  	_ =	swait.ge [sflag:s20], $0x1400  }
0x3c: {  	[sflag:s20] =	ssyncset.done $0x0  }
0x3d: {  	s28 =	simm.s32 $0x2800;
	[sflag:s20] =	ssyncadd.s32 $0xFFFFEC00  }
0x3e: {  	[spmem:s2] =	stream.indirect.scatter.add.f32 [tilespmem:s19], [sflag:$0x4], $0x40, s28, s16, $0xb8;
	[tilespmem:$0x1B620] =	vst v63  }
0x3f: {  	_ =	swait.ge [sflag:s22], $0x1400  }
0x40: {  	[sflag:s22] =	ssyncset.done $0x0  }
0x41: {  	s29 =	simm.s32 $0x140;
	s28 =	simm.s32 $0xFFFF6A00;
	[sflag:s22] =	ssyncadd.s32 $0xFFFFEC00  }
.LBB2_2:
0x42: {  	[tilespmem:s17], [sflag:$0x1] =	stream.indirect.gather [spmem:s3], $0x40, s29, s16, $0xb8;
	[tilespmem:$0x1B620] =	vst v63  }
0x43: {  	s29 =	smov.u32 s28  }
0x44: {  	p0 =	sne.s32 s28, $0xFFFFFD80;
	s28 =	sadd.s32 $0x280, s28;
	_ =	swait.ge [sflag:s18], $0x1400  }
0x45: {  	s29 =	sshra.s32 s29, $0x2;
	[sflag:s18] =	ssyncset.done $0x0  }
0x46: {  	s30 =	sadd.s32 $0x4DD0, s29;
	[sflag:s18] =	ssyncadd.s32 $0xFFFFEC00  }
0x47: {  	[spmem:s2] =	stream.indirect.scatter.add.f32 [tilespmem:s17], [sflag:$0x3], $0x40, s30, s16, $0xb8;
	[tilespmem:$0x1B620] =	vst v63  }
0x48: {  	_ =	swait.ge [sflag:s24], $0x1400  }
0x49: {  	[sflag:s24] =	ssyncset.done $0x0  }
0x4a: {  	s30 =	sadd.s32 $0x2710, s29;
	[sflag:s24] =	ssyncadd.s32 $0xFFFFEC00  }
0x4b: {  	[tilespmem:s19], [sflag:$0x2] =	stream.indirect.gather [spmem:s3], $0x40, s30, s16, $0xb8;
	[tilespmem:$0x1B620] =	vst v63  }
0x4c: {  	_ =	swait.ge [sflag:s20], $0x1400  }
0x4d: {  	[sflag:s20] =	ssyncset.done $0x0  }
.Ltmp0:
0x4e: {  	s30 =	sadd.s32 $0x4E20, s29;
	[sflag:s20] =	ssyncadd.s32 $0xFFFFEC00;
	(pc) =	sbr.rel @p0 .LBB2_2-.Ltmp0, $4  }
0x4f: {  	[spmem:s2] =	stream.indirect.scatter.add.f32 [tilespmem:s19], [sflag:$0x4], $0x40, s30, s16, $0xb8;
	[tilespmem:$0x1B620] =	vst v63  }
0x50: {  	_ =	swait.ge [sflag:s22], $0x1400  }
0x51: {  	[sflag:s22] =	ssyncset.done $0x0  }
0x52: {  	s29 =	sadd.s32 $0x2760, s29;
	[sflag:s22] =	ssyncadd.s32 $0xFFFFEC00  }
0x53: {  	[tilespmem:s17], [sflag:$0x1] =	stream.indirect.gather [spmem:s3], $0x40, s29, s16, $0xb8;
	[tilespmem:$0x1B620] =	vst v63  }
0x54: {  	_ =	swait.ge [sflag:s18], $0x1400  }
0x55: {  	[sflag:s18] =	ssyncset.done $0x0  }
0x56: {  	[sflag:s18] =	ssyncadd.s32 $0xFFFFEC00  }
0x57: {  	[spmem:s2] =	stream.indirect.scatter.add.f32 [tilespmem:s17], [sflag:$0x3], $0x40, s25, s16, $0xb8;
	[tilespmem:$0x1B620] =	vst v63  }
0x58: {  	_ =	swait.ge [sflag:s24], $0x1400  }
0x59: {  	[sflag:s24] =	ssyncset.done $0x0  }
0x5a: {  	[sflag:s24] =	ssyncadd.s32 $0xFFFFEC00  }
0x5b: {  	_ =	swait.ge [sflag:s22], $0x1400  }
0x5c: {  	s26 =	sadd.s32 $0x1, s26;
	[sflag:s22] =	ssyncset.done $0x0  }
0x5d: {  	p0 =	sne.s32 s26, s11;
	[sflag:s22] =	ssyncadd.s32 $0xFFFFEC00  }
.Ltmp1:
0x5e: {  	[bflag:$0x0] =	sbarrier.arrive $0xFFFF;
	(pc) =	sbr.rel @p0 .LBB2_1-.Ltmp1, $4  }
0x5f: {  	[hbm:s10], [sflag:s6] =	dma.local [spmem:s12], $0x1400  }
0x60: {  	_ =	swait.ge [sflag:s13], $0x1400  }
0x61: {  	[sflag:s13] =	ssyncset.done $0x0  }
0x62: {  	[sflag:s13] =	ssyncadd.s32 $0xFFFFEC00  }
0x63: {  	_ =	sfence.sel $0x180000  }
0x64: {  	[bflag:$0x0] =	sbarrier.arrive $0xFFFF  }
0x65: {  	p0 =	sne.s32 s0, $0x0;
	_ =	strace $0x9000004D  }
0x66: {  	s0 =	sadd.s32 @!p0 $0x100000, s1;
	[bflag:$0x2] =	sbarrier.arrive $0xFFFF  }
0x67: {  	[sflag:s0] =	ssyncadd.tile.s32 @!p0 $0x1;
	_ =	shalt  }
.Lfunc_end2:
_tile_overlayer_lowered:
.L_overlay_start_2:
0x68: {  	(tag) =	ssettag $0x2  }
0x69: {  	s0 =	rddreg [dreg:$0x0];
	s2 =	stileid.u32  }
0x6a: {  	s1 =	rddreg [dreg:$0x1];
	p0 =	sne.s32 s2, $0x0  }
0x6b: {  	s3 =	rddreg [dreg:$0x2];
	[bflag:$0x3] =	sbarrier.arrive $0xFFFF;
	s2 =	simm.s32 @!p0 $0x1C05  }
0x6c: {  	[timem:s3], [sflag:s2] =	dma.local @!p0 [hbm:s0], s1  }
0x6d: {  	s0 =	simm.s32 @!p0 $0x5  }
0x6e: {  	_ =	swait.ge @!p0 [sflag:s0], s1  }
0x6f: {  	s1 =	ssub.s32 @!p0 $0x0, s1;
	[sflag:s0] =	ssyncset.done @!p0 $0x0  }
0x70: {  	[sflag:s0] =	ssyncadd.s32 @!p0 s1  }
0x71: {  	[bflag:$0x3] =	sbarrier.arrive $0xFFFF  }
0x72: {  	_ =	shalt  }

// kernel: kernel.9.cloned.1.call-start
scs
__scs_entry_jumppad:
0x0: {  	(pc) =	sbr.rel $0x88, $3  }
0x1: {  	(tag) =	ssettag $0x0;
	lr =	simm.s32 $0x1  }
0x2: {  	[smem:$0x3F97] =	sst lr;
	_ =	strace $0xD0000000  }
0x3: {  	_ = 	snop  }
0x4: {  	_ = 	snop  }
0x5: {  	_ = 	snop  }
0x6: {  	_ = 	snop  }
0x7: {  	_ = 	snop  }
__scs_overlays_trampoline_lowered:
0x8: {  	[smem:$0x3FA6] =	sst s0  }
0x9: {  	[smem:$0x3FA7] =	sst s1  }
0xa: {  	[smem:$0x3FA8] =	sst s2  }
0xb: {  	[smem:$0x3FA9] =	sst s3  }
0xc: {  	[smem:$0x3FAA] =	sst s4  }
0xd: {  	[smem:$0x3FAB] =	sst s5  }
0xe: {  	[smem:$0x3FAC] =	sst s6  }
0xf: {  	[smem:$0x3FAD] =	sst s7  }
0x10: {  	[smem:$0x3FAE] =	sst s8  }
0x11: {  	[smem:$0x3FAF] =	sst s9;
	s0 =	simm.s32 @!p0 $0x0  }
0x12: {  	s1 =	sld [smem:$0x3F95];
	s0 =	simm.s32 @p0 $0x1  }
0x13: {  	[smem:$0x3FB0] =	sst s0;
	s0 =	simm.s32 @!p1 $0x0  }
0x14: {  	s2 =	sld [smem:$0x3F94];
	s0 =	simm.s32 @p1 $0x1  }
0x15: {  	[smem:$0x3FB1] =	sst s0;
	s0 =	simm.s32 @!p2 $0x0  }
0x16: {  	s3 =	sld [smem:$0x3FDB];
	s0 =	simm.s32 @p2 $0x1  }
0x17: {  	s4 =	simm.s32 $0x1BF5;
	[smem:$0x3FB3] =	sst s0  }
0x18: {  	s0 =	sld [smem:$0x3F96];
	_ =	swait.ge [sflag:s4], $0x0  }
0x19: {  	s7 =	sld [smem:$0x3F97]  }
0x1a: {  	s8 =	sadd.s32 $0xFFFFE003, lr  }
0x1b: {  	s9 =	sadd.s32 $0xFFFFFEF7, lr;
	s5 =	simm.s32 $0xFFFFFFFF;
	p2 =	slt.u32 s8, $0xFFFFF086  }
0x1c: {  	p1 =	slt.u32 s9, $0xF7A;
	s5 =	simm.s32 @!p2 $0x0  }
0x1d: {  	s5 =	simm.s32 @p1 $0x1;
	p0 =	seq.s32 s7, s2  }
0x1e: {  	s7 =	smul.u32 @!p0 $0xF7A, s2;
	p2 =	seq.s32 @!p0 s5, $0x0  }
0x1f: {  	s9 =	smul.u32 $0xF7A, s1;
	s8 =	simm.s32 @!p0 $0x1BF5;
	p2 =	por !p2, p0  }
0x20: {  	[sflag:s8] =	ssyncset.s32 @!p0 $0xFFFFF086;
	s6 =	sadd.s32 @!p0 s3, s7;
	s7 =	simm.s32 @!p0 $0x108  }
0x21: {  	s3 =	sadd.s32 s3, s9;
	s6 =	sadd.s32 @!p0 $0x88, s6;
	s7 =	simm.s32 @p2 $0x1082  }
0x22: {  	[simem:s7], [sflag:s8] =	dma.local @!p0 [hbm:s6], $0xF7A  }
0x23: {  	s9 =	sor.u32 $0xD0000000, s2;
	s6 =	simm.s32 $0x108;
	_ =	swait.ge @!p0 [sflag:s8], $0x0  }
0x24: {  	s3 =	sadd.s32 $0x88, s3;
	s6 =	simm.s32 @!p1 $0x1082;
	[sflag:s4] =	ssyncset.s32 $0xFFFFF086  }
0x25: {  	[simem:s6], [sflag:s4] =	dma.local [hbm:s3], $0xF7A  }
0x26: {  	[smem:$0x3F97] =	sst s1;
	(tag) =	ssettag s2;
	_ =	strace s9  }
0x27: {  	s1 =	sld [smem:$0x3FA7]  }
0x28: {  	s2 =	sld [smem:$0x3FA8]  }
0x29: {  	s4 =	sld [smem:$0x3FAA]  }
0x2a: {  	p0 =	seq.s32 s5, $0x0;
	s5 =	sld [smem:$0x3FAB]  }
0x2b: {  	s6 =	sld [smem:$0x3FAC]  }
0x2c: {  	s7 =	sld [smem:$0x3FAD]  }
0x2d: {  	s3 =	simm.s32 $0x108;
	s8 =	sld [smem:$0x3FAE]  }
0x2e: {  	s3 =	simm.s32 @!p0 $0x1082;
	s9 =	sld [smem:$0x3FAF]  }
0x2f: {  	lr =	sadd.s32 s0, s3;
	s0 =	sld [smem:$0x3FA6]  }
0x30: {  	s3 =	sld [smem:$0x3FA9]  }
0x31: {  	[smem:$0x3FB2] =	sst s10  }
0x32: {  	s10 =	sld [smem:$0x3FB0];
	_ =	sdelay $0x3  }
0x33: {  	p0 =	seq.s32 s10, $0x1;
	s10 =	sld [smem:$0x3FB2];
	_ =	sdelay $0x3  }
0x34: {  	[smem:$0x3FB2] =	sst s10  }
0x35: {  	s10 =	sld [smem:$0x3FB1];
	_ =	sdelay $0x3  }
0x36: {  	p1 =	seq.s32 s10, $0x1;
	s10 =	sld [smem:$0x3FB2];
	_ =	sdelay $0x3  }
0x37: {  	[smem:$0x3FB2] =	sst s10  }
0x38: {  	s10 =	sld [smem:$0x3FB3]  }
0x39: {  	_ = 	snop;
	(pc) =	sbr.ind lr, $3  }
0x3a: {  	_ = 	snop  }
0x3b: {  	_ = 	snop  }
0x3c: {  	p2 =	seq.s32 s10, $0x1;
	s10 =	sld [smem:$0x3FB2]  }
0x3d: {  	_ =	shalt  }
0x3e: {  	_ =	shalt  }
0x3f: {  	_ =	shalt  }
0x40: {  	_ =	shalt  }
0x41: {  	_ =	shalt  }
0x42: {  	_ =	shalt  }
0x43: {  	_ =	shalt  }
0x44: {  	_ =	shalt  }
0x45: {  	_ =	shalt  }
0x46: {  	_ =	shalt  }
0x47: {  	_ =	shalt  }
0x48: {  	_ =	shalt  }
0x49: {  	_ =	shalt  }
0x4a: {  	_ =	shalt  }
0x4b: {  	_ =	shalt  }
0x4c: {  	_ =	shalt  }
0x4d: {  	_ =	shalt  }
0x4e: {  	_ =	shalt  }
0x4f: {  	_ =	shalt  }
0x50: {  	_ =	shalt  }
0x51: {  	_ =	shalt  }
0x52: {  	_ =	shalt  }
0x53: {  	_ =	shalt  }
0x54: {  	_ =	shalt  }
0x55: {  	_ =	shalt  }
0x56: {  	_ =	shalt  }
0x57: {  	_ =	shalt  }
0x58: {  	_ =	shalt  }
0x59: {  	_ =	shalt  }
0x5a: {  	_ =	shalt  }
0x5b: {  	_ =	shalt  }
0x5c: {  	_ =	shalt  }
0x5d: {  	_ =	shalt  }
0x5e: {  	_ =	shalt  }
0x5f: {  	_ =	shalt  }
0x60: {  	_ =	shalt  }
0x61: {  	_ =	shalt  }
0x62: {  	_ =	shalt  }
0x63: {  	_ =	shalt  }
0x64: {  	_ =	shalt  }
0x65: {  	_ =	shalt  }
0x66: {  	_ =	shalt  }
0x67: {  	_ =	shalt  }
0x68: {  	_ =	shalt  }
0x69: {  	_ =	shalt  }
0x6a: {  	_ =	shalt  }
0x6b: {  	_ =	shalt  }
0x6c: {  	_ =	shalt  }
0x6d: {  	_ =	shalt  }
0x6e: {  	_ =	shalt  }
0x6f: {  	_ =	shalt  }
0x70: {  	_ =	shalt  }
0x71: {  	_ =	shalt  }
0x72: {  	_ =	shalt  }
0x73: {  	_ =	shalt  }
0x74: {  	_ =	shalt  }
0x75: {  	_ =	shalt  }
0x76: {  	_ =	shalt  }
0x77: {  	_ =	shalt  }
0x78: {  	_ =	shalt  }
0x79: {  	_ =	shalt  }
0x7a: {  	_ =	shalt  }
0x7b: {  	_ =	shalt  }
0x7c: {  	_ =	shalt  }
0x7d: {  	_ =	shalt  }
0x7e: {  	_ =	shalt  }
0x7f: {  	_ =	shalt  }
0x80: {  	_ =	shalt  }
0x81: {  	_ =	shalt  }
0x82: {  	_ =	shalt  }
0x83: {  	_ =	shalt  }
0x84: {  	_ =	shalt  }
0x85: {  	_ =	shalt  }
0x86: {  	_ =	shalt  }
0x87: {  	_ =	shalt  }
.Lfunc_end0:
.L_simem_size_0:
called_computation_lowered:
.L_overlay_start_0:
0x88: {  	s2 =	sld [smem:$0x3FD9]  }
0x89: {  	s3 =	sld [smem:$0x3FFE];
	_ =	sdelay $0x1  }
0x8a: {  	s1 =	srdreg.scid  }
0x8b: {  	s0 =	sand.u32 $0x1, s1  }
0x8c: {  	s17 =	sshll.u32 s0, $0xA;
	s2 =	sadd.s32 s3, s2  }
0x8d: {  	s2 =	sadd.s32 s2, s17  }
0x8e: {  	[smem:$0x3FBE] =	sst s2  }
0x8f: {  	_ = 	snop  }
0x90: {  	s2 =	sld [smem:$0x3FD0];
	(tm) =	ssettm $0x1  }
0x91: {  	s18 =	sld [smem:$0x3FFB];
	_ =	sdelay $0x3  }
0x92: {  	_ =	strace s18  }
0x93: {  	s3 =	sld [smem:$0x3FFC];
	_ =	sdelay $0x3  }
0x94: {  	_ =	strace s3  }
0x95: {  	s3 =	sld [smem:$0x3FFD];
	_ =	sdelay $0x3  }
0x96: {  	_ =	strace s3  }
0x97: {  	_ =	strace $0x8FFFFFFF  }
0x98: {  	s19 =	sld [smem:$0x3FDB];
	_ =	sdelay $0x1  }
0x99: {  	s4 =	simm.s32 $_scs_section_size  }
0x9a: {  	s5 =	simm.s32 $_size__tile_overlayer_lowered;
	s6 =	simm.s32 $_tile_overlayer_lowered  }
0x9b: {  	s22 =	simm.s32 $0x1BFF;
	s21 =	sshll.u32 s6, $0x1;
	s3 =	sadd.s32 s4, s19  }
0x9c: {  	s7 =	simm.s32 $0x0;
	s20 =	sshll.u32 s5, $0x1;
	s5 =	sadd.s32 s21, s3  }
0x9d: {  	[timem:s7], [sflag:s22] =	dma.local [hbm:s5], s20  }
0x9e: {  	_ =	swait.ge [sflag:s22], s20  }
0x9f: {  	s4 =	ssub.s32 $0x0, s20;
	[sflag:s22] =	ssyncset.done $0x0  }
0xa0: {  	[sflag:s22] =	ssyncadd.s32 s4;
	_ =	sdelay $0x1  }
0xa1: {  	s23 =	simm.s32 $0x1B8B  }
0xa2: {  	_ =	swait.ge [sflag:s23], $0x1  }
0xa3: {  	[sflag:s23] =	ssyncset.done $0x0  }
0xa4: {  	s25 =	simm.s32 $0x1B8E;
	s24 =	sld [smem:$0x3FFE];
	[sflag:s23] =	ssyncadd.s32 $0xFFFFFFFF  }
0xa5: {  	s26 =	simm.s32 $execute0_lowered;
	[smem:$0x3FD2] =	sst s25  }
0xa6: {  	s5 =	sshll.u32 s26, $0x1;
	_ =	strace $0x80000046;
	[dreg:$0x1] =	wrdreg $0xFFFFFFFF  }
0xa7: {  	s28 =	simm.s32 $_size_execute0_lowered;
	s3 =	sadd.s32 s3, s5;
	[dreg:$0x0] =	wrdreg $0x0  }
0xa8: {  	s5 =	sshll.u32 s28, $0x1;
	[dreg:$0x2] =	wrdreg s3  }
0xa9: {  	[dreg:$0x3] =	wrdreg s5  }
0xaa: {  	[dreg:$0x4] =	wrdreg $0xC0  }
0xab: {  	_ =	task [dreg:s7], $0x5FFFF  }
0xac: {  	[dreg:$0x1] =	wrdreg $0xFFFFFFFF  }
0xad: {  	[dreg:$0x0] =	wrdreg $0x60  }
0xae: {  	[dreg:$0x2] =	wrdreg s24  }
0xaf: {  	[dreg:$0x3] =	wrdreg s2  }
0xb0: {  	[dreg:$0x4] =	wrdreg $0x29900  }
0xb1: {  	[dreg:$0x5] =	wrdreg $0x9  }
0xb2: {  	_ =	task.clear_ibuf [dreg:s7], $0x6FFFF;
	_ =	strace $0x90000046  }
0xb3: {  	s29 =	simm.s32 $0x9;
	_ =	strace $0x80000048  }
0xb4: {  	_ =	swait.ge [sflag:s29], $0x1  }
0xb5: {  	[sflag:s29] =	ssyncadd.s32 $0xFFFFFFFF  }
0xb6: {  	_ =	strace $0x90000048  }
0xb7: {  	_ =	sfence  }
0xb8: {  	s30 =	sld [smem:$0x0];
	_ =	sdelay $0x2  }
0xb9: {  	s31 =	sshll.u32 s1, $0xD;
	s1 =	sshrl.u32 s1, $0x2  }
0xba: {  	s3 =	sand.u32 $0x4000, s31;
	s1 =	sadd.s32 s1, s30  }
0xbb: {  	s0 =	sor.u32 s3, s0;
	s1 =	sshll.u32 s1, $0x11  }
0xbc: {  	s0 =	sor.u32 s1, s0  }
0xbd: {  	s0 =	sadd.s32 $0x8F2B, s0  }
0xbe: {  	[sflag:s0] =	ssyncadd.remote.s32 $0x1  }
0xbf: {  	_ =	sfence.sel $0xFFFF  }
0xc0: {  	[dreg:$0x0] =	wrdreg $0xFFFFFFFF;
	(pc) =	sbr.abs _section_cstart, $3  }
0xc1: {  	[dreg:$0x1] =	wrdreg $0xFFFFFFFF  }
0xc2: {  	_ =	task.clear_ibuf [dreg:s7], $0x2FFFF;
	_ =	strace $0x9FFFFFFF  }
0xc3: {  	(tm) =	ssettm $0x7FFFFFFF  }
tec
execute0_lowered:
.L_overlay_start_1:
0x0: {  	(tag) =	ssettag $0x1  }
0x1: {  	s6 =	rddreg [dreg:$0x0]  }
0x2: {  	s2 =	rddreg [dreg:$0x1]  }
0x3: {  	s3 =	rddreg [dreg:$0x2]  }
0x4: {  	s0 =	rddreg [dreg:$0x3]  }
0x5: {  	s1 =	stileid.u32;
	s5 =	srdreg.scid;
	s4 =	simm.s32 $0x0  }
0x6: {  	s13 =	simm.s32 $0x50;
	s14 =	simm.s32 $0x0;
	s7 =	smul.u32 $0x1400, s1  }
0x7: {  	s5 =	sand.u32 $0x1, s5;
	[smem:$0x7FF] =	sst s4;
	s31 =	sshll.u32 s1, $0x6  }
0x8: {  	s8 =	smul.u32 $0x14000, s5;
	_ =	strace $0x80000047;
	s9 =	sshll.u32 s5, $0x4  }
0x9: {  	s5 =	ssub.s32 $0x2, s5;
	s10 =	sshrl.u32 s7, $0x3;
	s9 =	sor.u32 s1, s9  }
0xa: {  	s11 =	sshrl.u32 s5, $0x1;
	s12 =	sadd.s32 s7, s3;
	s8 =	sadd.s32 s7, s8  }
0xb: {  	s9 =	smul.u32 $0x2710, s9;
	s10 =	sadd.s32 s10, s6;
	s11 =	ssub.s32 s5, s11  }
0xc: {  	s8 =	sshrl.u32 s8, $0x3;
	s5 =	sadd.s32 $0x16000, s10;
	s10 =	sshrl.u32 s12, $0x3  }
0xd: {  	s12 =	simm.s32 $0x2710;
	s8 =	sadd.s32 s8, s6;
	s30 =	sshrl.u32 s9, $0x3  }
0xe: {  	s9 =	smax.u32 s11, $0x1;
	s11 =	simm.s32 $0x1;
	s7 =	sadd.s32 s6, s30  }
0xf: {  	s6 =	sor.u32 $0x1C01, s31;
	s8 =	sadd.s32 $0x18800, s8;
	s7 =	sadd.s32 $0xC240, s7  }
.LBB2_1:
0x10: {  	[spmem:s10], [sflag:s6] =	dma.local [hbm:s5], $0x280  }
0x11: {  	_ =	swait.ge [sflag:s11], $0x280  }
0x12: {  	[sflag:s11] =	ssyncset.done $0x0  }
0x13: {  	[sflag:s11] =	ssyncadd.s32 $0xFFFFFD80  }
0x14: {  	[tilespmem:s12], [sflag:$0x1] =	stream.linear.gather [hbm4b:s2+s4], $0x280, $0x38;
	[tilespmem:$0x3D90] =	vst v63  }
0x15: {  	_ =	swait.ge [sflag:s11], $0x280  }
0x16: {  	[sflag:s11] =	ssyncset.done $0x0  }
0x17: {  	[sflag:s11] =	ssyncadd.s32 $0xFFFFFD80  }
0x18: {  	[tilespmem:s4], [sflag:$0x1] =	stream.linear.gather [hbm4b:s7+s4], $0x2710, $0x38;
	[tilespmem:$0x3D90] =	vst v63  }
0x19: {  	_ =	swait.ge [sflag:s11], $0x2710  }
0x1a: {  	[sflag:s11] =	ssyncset.done $0x0  }
0x1b: {  	[sflag:s11] =	ssyncadd.s32 $0xFFFFD8F0  }
0x1c: {  	s15 =	simm.s32 $0x0;
	[bflag:$0x0] =	sbarrier.arrive $0xFFFF  }
0x1d: {  	[spmem:s3] =	stream.indirect.scatter.add.f32 [tilespmem:s12], [sflag:$0x1], $0x8, s15, s13, $0xb8;
	[tilespmem:$0x3D90] =	vst v63  }
0x1e: {  	_ =	swait.ge [sflag:s11], $0x280  }
0x1f: {  	s15 =	simm.s32 $0x140;
	[sflag:s11] =	ssyncset.done $0x0  }
.LBB2_2:
0x20: {  	s16 =	sshra.s32 s15, $0x2;
	[sflag:s11] =	ssyncadd.s32 $0xFFFFFD80;
	p0 =	sne.s32 s15, $0x9B00  }
0x21: {  	[spmem:s3] =	stream.indirect.scatter.add.f32 [tilespmem:s12], [sflag:$0x1], $0x8, s16, s13, $0xb8;
	[tilespmem:$0x3D90] =	vst v63  }
.Ltmp0:
0x22: {  	_ = 	snop;
	(pc) =	sbr.rel @p0 .LBB2_2-.Ltmp0, $4  }
0x23: {  	_ = 	snop  }
0x24: {  	s15 =	sadd.s32 $0x140, s15  }
0x25: {  	_ =	swait.ge [sflag:s11], $0x280  }
0x26: {  	[sflag:s11] =	ssyncset.done $0x0  }
0x27: {  	s14 =	sadd.s32 $0x1, s14  }
0x28: {  	[sflag:s11] =	ssyncadd.s32 $0xFFFFFD80;
	p0 =	sne.s32 s14, s9  }
.Ltmp1:
0x29: {  	[bflag:$0x0] =	sbarrier.arrive $0xFFFF;
	(pc) =	sbr.rel @p0 .LBB2_1-.Ltmp1, $4  }
0x2a: {  	[hbm:s8], [sflag:s6] =	dma.local [spmem:s10], $0x280  }
0x2b: {  	_ =	swait.ge [sflag:s11], $0x280  }
0x2c: {  	[sflag:s11] =	ssyncset.done $0x0  }
0x2d: {  	[sflag:s11] =	ssyncadd.s32 $0xFFFFFD80  }
0x2e: {  	_ =	sfence.sel $0x180000  }
0x2f: {  	[bflag:$0x0] =	sbarrier.arrive $0xFFFF  }
0x30: {  	p0 =	sne.s32 s1, $0x0;
	_ =	strace $0x90000047  }
0x31: {  	s0 =	sadd.s32 @!p0 $0x100000, s0;
	[bflag:$0x2] =	sbarrier.arrive $0xFFFF  }
0x32: {  	[sflag:s0] =	ssyncadd.tile.s32 @!p0 $0x1;
	_ =	shalt  }
.Lfunc_end2:
_tile_overlayer_lowered:
.L_overlay_start_2:
0x33: {  	(tag) =	ssettag $0x2  }
0x34: {  	s0 =	rddreg [dreg:$0x0];
	s2 =	stileid.u32  }
0x35: {  	s1 =	rddreg [dreg:$0x1];
	p0 =	sne.s32 s2, $0x0  }
0x36: {  	s3 =	rddreg [dreg:$0x2];
	[bflag:$0x3] =	sbarrier.arrive $0xFFFF;
	s2 =	simm.s32 @!p0 $0x1C01  }
0x37: {  	[timem:s3], [sflag:s2] =	dma.local @!p0 [hbm:s0], s1  }
0x38: {  	s0 =	simm.s32 @!p0 $0x1  }
0x39: {  	_ =	swait.ge @!p0 [sflag:s0], s1  }
0x3a: {  	s1 =	ssub.s32 @!p0 $0x0, s1;
	[sflag:s0] =	ssyncset.done @!p0 $0x0  }
0x3b: {  	[sflag:s0] =	ssyncadd.s32 @!p0 s1  }
0x3c: {  	[bflag:$0x3] =	sbarrier.arrive $0xFFFF  }
0x3d: {  	_ =	shalt  }

</sc_bundles>
